<compile_context>
chip_gen: v7x
topology: tpu7x:2x2x1
jax: 0.10.2.dev20260603
libtpu: 0.0.44.dev20260713+nightly
codegen_flags: <defaults>
</compile_context>

<pallas_src>
import functools

import jax
import jax.numpy as jnp
from jax import lax
from jax.experimental import pallas as pl
from jax.experimental.pallas import tpu as pltpu
from jax.experimental.pallas import tpu_sc as plsc

SHORT_LEN = 131072
MEDIUM_LEN = 32768
LONG_LEN = 8192
EMBED_DIM = 256
B = 16384
TOTAL = SHORT_LEN + MEDIUM_LEN + LONG_LEN

NW = 32
RPW = SHORT_LEN // NW
MEDPW = MEDIUM_LEN // NW
LONGPW = LONG_LEN // NW
L = 16
NV = B // L
CH = 128
NCH = B // CH
WN = RPW + L


def _hm_body(short_hbm, med_hbm, long_hbm, upd_hbm, idx_hbm, out_hbm,
             idxbuf, winner, rowlist, jlist, rowbuf, rowbuf2,
             sem_ia, sem_ib, sem_oa, sem_ob, sem_g, sem_i):
    w = lax.axis_index("s") * 2 + lax.axis_index("c")
    base = w * RPW

    cp_idx = pltpu.make_async_copy(idx_hbm, idxbuf, sem_i)
    cp_idx.start()

    lanes = lax.iota(jnp.int32, L)
    neg1 = jnp.full((L,), -1, jnp.int32)

    def init_body(i, _):
        winner[pl.ds(pl.multiple_of(i * L, L), L)] = neg1
        return 0
    lax.fori_loop(0, WN // L, init_body, 0)

    cp_idx.wait()

    def dedup_step(i):
        v = idxbuf[pl.ds(pl.multiple_of(i * L, L), L)]
        rloc = v - base
        inb = (rloc >= 0) & (rloc < RPW)
        x = jnp.where(inb, rloc, RPW)
        _, last = plsc.scan_count(x)
        jvec = i * L + lanes
        plsc.store_scatter(winner, [x], jvec, mask=last)

    def ring_copy(src, src_off, dst_off, nchunks, work, steps, carry):
        def cin(c, buf, sem):
            return pltpu.make_async_copy(
                src.at[pl.ds(src_off + c * CH, CH)], buf, sem)

        def cout(c, buf, sem):
            return pltpu.make_async_copy(
                buf, out_hbm.at[pl.ds(dst_off + c * CH, CH)], sem)

        def do_work(t0, carry):
            def wl(k, c):
                return work(t0 + k, c)
            return lax.fori_loop(0, steps, wl, carry) if steps else carry

        cin(0, rowbuf, sem_ia).start()
        cin(1, rowbuf2, sem_ib).start()
        carry = do_work(0, carry)
        cin(0, rowbuf, sem_ia).wait()
        cout(0, rowbuf, sem_oa).start()
        carry = do_work(steps, carry)
        cin(1, rowbuf2, sem_ib).wait()
        cout(1, rowbuf2, sem_ob).start()

        def body(p, carry):
            ca, cb = 2 * p, 2 * p + 1
            cout(ca - 2, rowbuf, sem_oa).wait()
            cin(ca, rowbuf, sem_ia).start()
            carry = do_work(2 * p * steps, carry)
            cout(cb - 2, rowbuf2, sem_ob).wait()
            cin(cb, rowbuf2, sem_ib).start()
            carry = do_work((2 * p + 1) * steps, carry)
            cin(ca, rowbuf, sem_ia).wait()
            cout(ca, rowbuf, sem_oa).start()
            cin(cb, rowbuf2, sem_ib).wait()
            cout(cb, rowbuf2, sem_ob).start()
            return carry
        carry = lax.fori_loop(1, nchunks // 2, body, carry)

        cout(nchunks - 2, rowbuf, sem_oa).wait()
        cout(nchunks - 1, rowbuf2, sem_ob).wait()
        return carry

    def dedup_work(t, c):
        dedup_step(t)
        return c
    ring_copy(short_hbm, base, base, RPW // CH, dedup_work, NV // (RPW // CH),
              jnp.int32(0))

    def compact_step(i, carry):
        cnt, lastpair = carry
        wv = winner[pl.ds(pl.multiple_of(i * L, L), L)]
        m = wv >= 0
        mi = m.astype(jnp.int32)
        pos = cnt + plsc.cumsum(mi) - 1
        rowg = base + i * L + lanes
        plsc.store_scatter(rowlist, [pos >> 7, pos & 127], rowg, mask=m)
        plsc.store_scatter(jlist, [pos >> 7, pos & 127], wv, mask=m)
        pair = jnp.where(m, ((i * L + lanes) << 14) | wv, -1)
        return cnt + jnp.sum(mi), jnp.maximum(lastpair, jnp.max(pair))

    cnt, lastpair = ring_copy(
        med_hbm, w * MEDPW, SHORT_LEN + w * MEDPW, MEDPW // CH,
        compact_step, (RPW // L) // (MEDPW // CH), (jnp.int32(0), jnp.int32(-1)))

    ring_copy(long_hbm, w * LONGPW, SHORT_LEN + MEDIUM_LEN + w * LONGPW,
              LONGPW // CH, None, 0, jnp.int32(0))

    nch2 = (cnt + 2 * CH - 1) >> 8
    padded = nch2 * 2 * CH
    padrow = jnp.full((L,), base, jnp.int32) + (lastpair >> 14)
    padj = jnp.full((L,), 0, jnp.int32) + (lastpair & (B - 1))

    def pad_body(q, _):
        p = q * L + lanes
        m = (p >= cnt) & (p < padded)
        plsc.store_scatter(rowlist, [p >> 7, p & 127], padrow, mask=m)
        plsc.store_scatter(jlist, [p >> 7, p & 127], padj, mask=m)
        return 0
    lax.fori_loop(cnt >> 4, (padded + L - 1) >> 4, pad_body, 0)

    def gat(c, buf, sem):
        return pltpu.make_async_copy(upd_hbm.at[jlist.at[c]], buf, sem)

    def sct(c, buf, sem):
        return pltpu.make_async_copy(buf, out_hbm.at[rowlist.at[c]], sem)

    def pair_body(q, _):
        @pl.when(q > 0)
        def _():
            sct(2 * q - 2, rowbuf, sem_oa).wait()
        ga = gat(2 * q, rowbuf, sem_ia)
        ga.start()

        @pl.when(q > 0)
        def _():
            sct(2 * q - 1, rowbuf2, sem_ob).wait()
        gb = gat(2 * q + 1, rowbuf2, sem_ib)
        gb.start()
        ga.wait()
        sct(2 * q, rowbuf, sem_oa).start()
        gb.wait()
        sct(2 * q + 1, rowbuf2, sem_ob).start()
        return 0
    lax.fori_loop(0, nch2, pair_body, 0)

    @pl.when(nch2 > 0)
    def _():
        sct(2 * nch2 - 2, rowbuf, sem_oa).wait()
        sct(2 * nch2 - 1, rowbuf2, sem_ob).wait()


_hm_kernel = functools.partial(
    pl.kernel,
    out_type=jax.ShapeDtypeStruct((TOTAL, EMBED_DIM), jnp.float32),
    mesh=plsc.VectorSubcoreMesh(core_axis_name="c", subcore_axis_name="s"),
    compiler_params=pltpu.CompilerParams(needs_layout_passes=False),
    scratch_types=[
        pltpu.VMEM((B,), jnp.int32),
        pltpu.VMEM((WN,), jnp.int32),
        pltpu.VMEM((NCH, CH), jnp.int32),
        pltpu.VMEM((NCH, CH), jnp.int32),
        pltpu.VMEM((CH, EMBED_DIM), jnp.float32),
        pltpu.VMEM((CH, EMBED_DIM), jnp.float32),
        pltpu.SemaphoreType.DMA,
        pltpu.SemaphoreType.DMA,
        pltpu.SemaphoreType.DMA,
        pltpu.SemaphoreType.DMA,
        pltpu.SemaphoreType.DMA,
        pltpu.SemaphoreType.DMA,
    ],
)(_hm_body)


@jax.jit
def kernel(short_mem, medium_mem, long_mem, updates, short_idx):
    return _hm_kernel(short_mem, medium_mem, long_mem, updates,
                      short_idx.astype(jnp.int32))

# --- scband reference (transcript-rebuilt; emitter-appended) ---
"""Pipeline reference for scband-hierarchical-memory-40948218200611 (READ-ONLY COPY).

The authoritative reference and input builder live on the scoring server;
editing this copy changes nothing except your own understanding.
"""

import jax, jax.numpy as jnp
import numpy as np

SHORT_LEN = 131072
MEDIUM_LEN = 32768
LONG_LEN = 8192
EMBED_DIM = 256
B = 16384

def setup_inputs(seed: int = 0) -> dict:
    key = jax.random.key(seed)
    k1, k2, k3, k4, k5 = jax.random.split(key, 5)
    short_mem = jax.random.normal(k1, (SHORT_LEN, EMBED_DIM), dtype=jnp.float32)
    medium_mem = jax.random.normal(k2, (MEDIUM_LEN, EMBED_DIM), dtype=jnp.float32)
    long_mem = jax.random.normal(k3, (LONG_LEN, EMBED_DIM), dtype=jnp.float32)
    updates = jax.random.normal(k4, (B, EMBED_DIM), dtype=jnp.float32)
    short_idx = jax.random.randint(k5, (B,), 0, SHORT_LEN, dtype=jnp.int64 if jax.config.read('jax_enable_x64') else jnp.int32)
    return {"short_mem": short_mem, "medium_mem": medium_mem, "long_mem": long_mem, "updates": updates, "short_idx": short_idx}

def reference(short_mem, medium_mem, long_mem, updates, short_idx):
    # write(): scatter-overwrite rows of short_mem with updates at short_idx
    new_short = short_mem.at[short_idx].set(updates)
    # read(): concat all memory levels
    out = jnp.concatenate([new_short, medium_mem, long_mem], axis=0)
    return out

if __name__ == "__main__":
    import jax
    _d = setup_inputs()
    print(jax.jit(kernel)(*tuple(_d.values())))

</pallas_src>

<mosaic_0001>
#map = affine_map<(d0, d1) -> (0, 0)>
#map1 = affine_map<(d0, d1) -> (0)>
module attributes {stable_mosaic.version = 14 : i64} {
  func.func @_hm_body(%arg0: i32, %arg1: i32, %arg2: memref<131072x256xf32, #tpu.memory_space<hbm>>, %arg3: memref<32768x256xf32, #tpu.memory_space<hbm>>, %arg4: memref<8192x256xf32, #tpu.memory_space<hbm>>, %arg5: memref<16384x256xf32, #tpu.memory_space<hbm>>, %arg6: memref<16384xi32, #tpu.memory_space<hbm>>, %arg7: memref<172032x256xf32, #tpu.memory_space<hbm>>, %arg8: memref<16384xi32, #tpu.memory_space<vmem>>, %arg9: memref<4112xi32, #tpu.memory_space<vmem>>, %arg10: memref<128x128xi32, #tpu.memory_space<vmem>>, %arg11: memref<128x128xi32, #tpu.memory_space<vmem>>, %arg12: memref<128x256xf32, #tpu.memory_space<vmem>>, %arg13: memref<128x256xf32, #tpu.memory_space<vmem>>, %arg14: memref<!tpu.dma_semaphore, #tpu.memory_space<semaphore_mem>>, %arg15: memref<!tpu.dma_semaphore, #tpu.memory_space<semaphore_mem>>, %arg16: memref<!tpu.dma_semaphore, #tpu.memory_space<semaphore_mem>>, %arg17: memref<!tpu.dma_semaphore, #tpu.memory_space<semaphore_mem>>, %arg18: memref<!tpu.dma_semaphore, #tpu.memory_space<semaphore_mem>>, %arg19: memref<!tpu.dma_semaphore, #tpu.memory_space<semaphore_mem>>) attributes {dimension_semantics = [#tpu.dimension_semantics<core_parallel>, #tpu.dimension_semantics<subcore_parallel>], iteration_bounds = array<i64: 2, 16>, scalar_prefetch = 0 : i64, scratch_operands = 12 : i64, tpu.core_type = #tpu.core_type<sc_vector_subcore>, window_params = [{transform_indices = #map}, {transform_indices = #map}, {transform_indices = #map}, {transform_indices = #map}, {transform_indices = #map1}, {transform_indices = #map}]} {
    %mul3A = arith.constant 2 : i32
    %mul3A_0 = arith.muli %arg1, %mul3A : i32
    %add3A = arith.addi %mul3A_0, %arg0 : i32
    %mul3A_1 = arith.constant 4096 : i32
    %mul3A_2 = arith.muli %add3A, %mul3A_1 : i32
    tpu.enqueue_dma source(%arg6 : memref<16384xi32, #tpu.memory_space<hbm>>) target(%arg8 : memref<16384xi32, #tpu.memory_space<vmem>>) target_semaphore(%arg19 : memref<!tpu.dma_semaphore, #tpu.memory_space<semaphore_mem>>)
    %iota3A = tpu.iota {dimensions = array<i32: 0>} : vector<16xi32>
    %broadcast_in_dim3A = arith.constant -1 : i32
    %broadcast_in_dim3A_3 = vector.broadcast %broadcast_in_dim3A : i32 to vector<16xi32>
    %scan3A = arith.constant 0 : i32
    %scan3A_4 = arith.constant 0 : i32
    %scan3A_5 = arith.constant 257 : i32
    %scan3A_6 = arith.addi %scan3A_4, %scan3A_5 : i32
    %scan3A_7 = arith.constant 1 : i32
    %scan3A_8 = scf.for %scan3A_257 = %scan3A_4 to %scan3A_6 step %scan3A_7 iter_args(%scan3A_258 = %scan3A) -> (i32)  : i32 {
      %mul3A_259 = arith.constant 16 : i32
      %mul3A_260 = arith.muli %scan3A_257, %mul3A_259 : i32
      %multiple_of3A = tpu.assume_multiple %mul3A_260, 16 : i32
      %swap3A = arith.index_cast %multiple_of3A : i32 to index
      %swap3A_261 = tpu.vector_load %arg9[%swap3A] {strides = array<i32>} : memref<4112xi32, #tpu.memory_space<vmem>>, vector<16xi32>,
      tpu.vector_store %arg9[%swap3A], %broadcast_in_dim3A_3 {strides = array<i32>} : memref<4112xi32, #tpu.memory_space<vmem>>, vector<16xi32>,
      %scan3A_262 = arith.constant 0 : i32
      scf.yield %scan3A_262 : i32
    }
    %scan3A_9 = arith.constant 257 : i32
    tpu.wait_dma2 semaphore(%arg19 : memref<!tpu.dma_semaphore, #tpu.memory_space<semaphore_mem>>) src(%arg6 : memref<16384xi32, #tpu.memory_space<hbm>>) dst(%arg8 : memref<16384xi32, #tpu.memory_space<vmem>>)
    %add3A_10 = arith.constant 0 : i32
    %add3A_11 = arith.addi %mul3A_2, %add3A_10 : i32
    %dma_start3A = arith.constant 0 : i32
    %dma_start3A_12 = tpu.memref_slice %arg2[%add3A_11, %dma_start3A] : memref<131072x256xf32, #tpu.memory_space<hbm>> -> memref<128x256xf32, #tpu.memory_space<hbm>>
    %dma_start3A_13 = arith.constant 0 : i32
    %dma_start3A_14 = tpu.memref_slice %arg2[%add3A_11, %dma_start3A_13] : memref<131072x256xf32, #tpu.memory_space<hbm>> -> memref<128x256xf32, #tpu.memory_space<hbm>>
    tpu.enqueue_dma source(%dma_start3A_14 : memref<128x256xf32, #tpu.memory_space<hbm>>) target(%arg12 : memref<128x256xf32, #tpu.memory_space<vmem>>) target_semaphore(%arg14 : memref<!tpu.dma_semaphore, #tpu.memory_space<semaphore_mem>>)
    %add3A_15 = arith.constant 128 : i32
    %add3A_16 = arith.addi %mul3A_2, %add3A_15 : i32
    %dma_start3A_17 = arith.constant 0 : i32
    %dma_start3A_18 = tpu.memref_slice %arg2[%add3A_16, %dma_start3A_17] : memref<131072x256xf32, #tpu.memory_space<hbm>> -> memref<128x256xf32, #tpu.memory_space<hbm>>
    %dma_start3A_19 = arith.constant 0 : i32
    %dma_start3A_20 = tpu.memref_slice %arg2[%add3A_16, %dma_start3A_19] : memref<131072x256xf32, #tpu.memory_space<hbm>> -> memref<128x256xf32, #tpu.memory_space<hbm>>
    tpu.enqueue_dma source(%dma_start3A_20 : memref<128x256xf32, #tpu.memory_space<hbm>>) target(%arg13 : memref<128x256xf32, #tpu.memory_space<vmem>>) target_semaphore(%arg15 : memref<!tpu.dma_semaphore, #tpu.memory_space<semaphore_mem>>)
    %scan3A_21 = arith.constant 0 : i32
    %scan3A_22 = arith.constant 0 : i32
    %scan3A_23 = arith.constant 32 : i32
    %scan3A_24 = arith.addi %scan3A_22, %scan3A_23 : i32
    %scan3A_25 = arith.constant 1 : i32
    scf.for %scan3A_257 = %scan3A_22 to %scan3A_24 step %scan3A_25  : i32 {
      %add3A_258 = arith.constant 0 : i32
      %add3A_259 = arith.addi %add3A_258, %scan3A_257 : i32
      %mul3A_260 = arith.constant 16 : i32
      %mul3A_261 = arith.muli %add3A_259, %mul3A_260 : i32
      %multiple_of3A = tpu.assume_multiple %mul3A_261, 16 : i32
      %get3A = arith.index_cast %multiple_of3A : i32 to index
      %get3A_262 = tpu.vector_load %arg8[%get3A] {strides = array<i32>} : memref<16384xi32, #tpu.memory_space<vmem>>, vector<16xi32>,
      %sub3A_263 = vector.broadcast %mul3A_2 : i32 to vector<16xi32>
      %sub3A_264 = arith.subi %get3A_262, %sub3A_263 : vector<16xi32>
      %ge3A = arith.constant 0 : i32
      %ge3A_265 = vector.broadcast %ge3A : i32 to vector<16xi32>
      %ge3A_266 = arith.cmpi sge, %sub3A_264, %ge3A_265 : vector<16xi32>
      %lt3A = arith.constant 4096 : i32
      %lt3A_267 = vector.broadcast %lt3A : i32 to vector<16xi32>
      %lt3A_268 = arith.cmpi slt, %sub3A_264, %lt3A_267 : vector<16xi32>
      %and3A_269 = arith.andi %ge3A_266, %lt3A_268 : vector<16xi1>
      %jit3A = arith.constant 4096 : i32
      %broadcast_in_dim3A_270 = vector.broadcast %jit3A : i32 to vector<16xi32>
      %select_n3A = arith.select %and3A_269, %sub3A_264, %broadcast_in_dim3A_270 : vector<16xi1>, vector<16xi32>
      %broadcast_in_dim3A_271 = arith.constant true
      %broadcast_in_dim3A_272 = vector.broadcast %broadcast_in_dim3A_271 : i1 to vector<16xi1>
      %unique3A, %unique3A_273 = tpu.scan_count mask(%broadcast_in_dim3A_272 : vector<16xi1>) value(%select_n3A : vector<16xi32>) : vector<16xi1>, vector<16xi32>
      %mul3A_274 = arith.constant 16 : i32
      %mul3A_275 = arith.muli %add3A_259, %mul3A_274 : i32
      %add3A_276 = vector.broadcast %mul3A_275 : i32 to vector<16xi32>
      %add3A_277 = arith.addi %add3A_276, %iota3A : vector<16xi32>
      tpu.vector_store_idx %arg9[%select_n3A], %add3A_277 masked %unique3A : memref<4112xi32, #tpu.memory_space<vmem>>[vector<16xi32>], vector<16xi32>, vector<16xi1>
    }
    %scan3A_26 = arith.constant 32 : i32
    %add3A_27 = arith.constant 0 : i32
    %add3A_28 = arith.addi %mul3A_2, %add3A_27 : i32
    %dma_wait3A = arith.constant 0 : i32
    %dma_wait3A_29 = tpu.memref_slice %arg2[%add3A_28, %dma_wait3A] : memref<131072x256xf32, #tpu.memory_space<hbm>> -> memref<128x256xf32, #tpu.memory_space<hbm>>
    %dma_wait3A_30 = arith.constant 0 : i32
    %dma_wait3A_31 = tpu.memref_slice %arg2[%add3A_28, %dma_wait3A_30] : memref<131072x256xf32, #tpu.memory_space<hbm>> -> memref<128x256xf32, #tpu.memory_space<hbm>>
    tpu.wait_dma2 semaphore(%arg14 : memref<!tpu.dma_semaphore, #tpu.memory_space<semaphore_mem>>) src(%dma_wait3A_31 : memref<128x256xf32, #tpu.memory_space<hbm>>) dst(%arg12 : memref<128x256xf32, #tpu.memory_space<vmem>>)
    %add3A_32 = arith.constant 0 : i32
    %add3A_33 = arith.addi %mul3A_2, %add3A_32 : i32
    %dma_start3A_34 = arith.constant 0 : i32
    %dma_start3A_35 = tpu.memref_slice %arg7[%add3A_33, %dma_start3A_34] : memref<172032x256xf32, #tpu.memory_space<hbm>> -> memref<128x256xf32, #tpu.memory_space<hbm>>
    %dma_start3A_36 = arith.constant 0 : i32
    %dma_start3A_37 = tpu.memref_slice %arg7[%add3A_33, %dma_start3A_36] : memref<172032x256xf32, #tpu.memory_space<hbm>> -> memref<128x256xf32, #tpu.memory_space<hbm>>
    tpu.enqueue_dma source(%arg12 : memref<128x256xf32, #tpu.memory_space<vmem>>) target(%dma_start3A_37 : memref<128x256xf32, #tpu.memory_space<hbm>>) target_semaphore(%arg16 : memref<!tpu.dma_semaphore, #tpu.memory_space<semaphore_mem>>)
    %scan3A_38 = arith.constant 0 : i32
    %scan3A_39 = arith.constant 0 : i32
    %scan3A_40 = arith.constant 32 : i32
    %scan3A_41 = arith.addi %scan3A_39, %scan3A_40 : i32
    %scan3A_42 = arith.constant 1 : i32
    scf.for %scan3A_257 = %scan3A_39 to %scan3A_41 step %scan3A_42  : i32 {
      %add3A_258 = arith.constant 32 : i32
      %add3A_259 = arith.addi %add3A_258, %scan3A_257 : i32
      %mul3A_260 = arith.constant 16 : i32
      %mul3A_261 = arith.muli %add3A_259, %mul3A_260 : i32
      %multiple_of3A = tpu.assume_multiple %mul3A_261, 16 : i32
      %get3A = arith.index_cast %multiple_of3A : i32 to index
      %get3A_262 = tpu.vector_load %arg8[%get3A] {strides = array<i32>} : memref<16384xi32, #tpu.memory_space<vmem>>, vector<16xi32>,
      %sub3A_263 = vector.broadcast %mul3A_2 : i32 to vector<16xi32>
      %sub3A_264 = arith.subi %get3A_262, %sub3A_263 : vector<16xi32>
      %ge3A = arith.constant 0 : i32
      %ge3A_265 = vector.broadcast %ge3A : i32 to vector<16xi32>
      %ge3A_266 = arith.cmpi sge, %sub3A_264, %ge3A_265 : vector<16xi32>
      %lt3A = arith.constant 4096 : i32
      %lt3A_267 = vector.broadcast %lt3A : i32 to vector<16xi32>
      %lt3A_268 = arith.cmpi slt, %sub3A_264, %lt3A_267 : vector<16xi32>
      %and3A_269 = arith.andi %ge3A_266, %lt3A_268 : vector<16xi1>
      %jit3A = arith.constant 4096 : i32
      %broadcast_in_dim3A_270 = vector.broadcast %jit3A : i32 to vector<16xi32>
      %select_n3A = arith.select %and3A_269, %sub3A_264, %broadcast_in_dim3A_270 : vector<16xi1>, vector<16xi32>
      %broadcast_in_dim3A_271 = arith.constant true
      %broadcast_in_dim3A_272 = vector.broadcast %broadcast_in_dim3A_271 : i1 to vector<16xi1>
      %unique3A, %unique3A_273 = tpu.scan_count mask(%broadcast_in_dim3A_272 : vector<16xi1>) value(%select_n3A : vector<16xi32>) : vector<16xi1>, vector<16xi32>
      %mul3A_274 = arith.constant 16 : i32
      %mul3A_275 = arith.muli %add3A_259, %mul3A_274 : i32
      %add3A_276 = vector.broadcast %mul3A_275 : i32 to vector<16xi32>
      %add3A_277 = arith.addi %add3A_276, %iota3A : vector<16xi32>
      tpu.vector_store_idx %arg9[%select_n3A], %add3A_277 masked %unique3A : memref<4112xi32, #tpu.memory_space<vmem>>[vector<16xi32>], vector<16xi32>, vector<16xi1>
    }
    %scan3A_43 = arith.constant 32 : i32
    %add3A_44 = arith.constant 128 : i32
    %add3A_45 = arith.addi %mul3A_2, %add3A_44 : i32
    %dma_wait3A_46 = arith.constant 0 : i32
    %dma_wait3A_47 = tpu.memref_slice %arg2[%add3A_45, %dma_wait3A_46] : memref<131072x256xf32, #tpu.memory_space<hbm>> -> memref<128x256xf32, #tpu.memory_space<hbm>>
    %dma_wait3A_48 = arith.constant 0 : i32
    %dma_wait3A_49 = tpu.memref_slice %arg2[%add3A_45, %dma_wait3A_48] : memref<131072x256xf32, #tpu.memory_space<hbm>> -> memref<128x256xf32, #tpu.memory_space<hbm>>
    tpu.wait_dma2 semaphore(%arg15 : memref<!tpu.dma_semaphore, #tpu.memory_space<semaphore_mem>>) src(%dma_wait3A_49 : memref<128x256xf32, #tpu.memory_space<hbm>>) dst(%arg13 : memref<128x256xf32, #tpu.memory_space<vmem>>)
    %add3A_50 = arith.constant 128 : i32
    %add3A_51 = arith.addi %mul3A_2, %add3A_50 : i32
    %dma_start3A_52 = arith.constant 0 : i32
    %dma_start3A_53 = tpu.memref_slice %arg7[%add3A_51, %dma_start3A_52] : memref<172032x256xf32, #tpu.memory_space<hbm>> -> memref<128x256xf32, #tpu.memory_space<hbm>>
    %dma_start3A_54 = arith.constant 0 : i32
    %dma_start3A_55 = tpu.memref_slice %arg7[%add3A_51, %dma_start3A_54] : memref<172032x256xf32, #tpu.memory_space<hbm>> -> memref<128x256xf32, #tpu.memory_space<hbm>>
    tpu.enqueue_dma source(%arg13 : memref<128x256xf32, #tpu.memory_space<vmem>>) target(%dma_start3A_55 : memref<128x256xf32, #tpu.memory_space<hbm>>) target_semaphore(%arg17 : memref<!tpu.dma_semaphore, #tpu.memory_space<semaphore_mem>>)
    %scan3A_56 = arith.constant 0 : i32
    %scan3A_57 = arith.constant 1 : i32
    %scan3A_58 = arith.constant 15 : i32
    %scan3A_59 = arith.addi %scan3A_57, %scan3A_58 : i32
    %scan3A_60 = arith.constant 1 : i32
    scf.for %scan3A_257 = %scan3A_57 to %scan3A_59 step %scan3A_60  : i32 {
      %mul3A_258 = arith.constant 2 : i32
      %mul3A_259 = arith.muli %mul3A_258, %scan3A_257 : i32
      %mul3A_260 = arith.constant 2 : i32
      %mul3A_261 = arith.muli %mul3A_260, %scan3A_257 : i32
      %add3A_262 = arith.constant 1 : i32
      %add3A_263 = arith.addi %mul3A_261, %add3A_262 : i32
      %sub3A_264 = arith.constant 2 : i32
      %sub3A_265 = arith.subi %mul3A_259, %sub3A_264 : i32
      %mul3A_266 = arith.constant 128 : i32
      %mul3A_267 = arith.muli %sub3A_265, %mul3A_266 : i32
      %add3A_268 = arith.addi %mul3A_2, %mul3A_267 : i32
      %dma_wait3A_269 = arith.constant 0 : i32
      %dma_wait3A_270 = tpu.memref_slice %arg7[%add3A_268, %dma_wait3A_269] : memref<172032x256xf32, #tpu.memory_space<hbm>> -> memref<128x256xf32, #tpu.memory_space<hbm>>
      %dma_wait3A_271 = arith.constant 0 : i32
      %dma_wait3A_272 = tpu.memref_slice %arg7[%add3A_268, %dma_wait3A_271] : memref<172032x256xf32, #tpu.memory_space<hbm>> -> memref<128x256xf32, #tpu.memory_space<hbm>>
      tpu.wait_dma2 semaphore(%arg16 : memref<!tpu.dma_semaphore, #tpu.memory_space<semaphore_mem>>) src(%arg12 : memref<128x256xf32, #tpu.memory_space<vmem>>) dst(%dma_wait3A_272 : memref<128x256xf32, #tpu.memory_space<hbm>>)
      %mul3A_273 = arith.constant 128 : i32
      %mul3A_274 = arith.muli %mul3A_259, %mul3A_273 : i32
      %add3A_275 = arith.addi %mul3A_2, %mul3A_274 : i32
      %dma_start3A_276 = arith.constant 0 : i32
      %dma_start3A_277 = tpu.memref_slice %arg2[%add3A_275, %dma_start3A_276] : memref<131072x256xf32, #tpu.memory_space<hbm>> -> memref<128x256xf32, #tpu.memory_space<hbm>>
      %dma_start3A_278 = arith.constant 0 : i32
      %dma_start3A_279 = tpu.memref_slice %arg2[%add3A_275, %dma_start3A_278] : memref<131072x256xf32, #tpu.memory_space<hbm>> -> memref<128x256xf32, #tpu.memory_space<hbm>>
      tpu.enqueue_dma source(%dma_start3A_279 : memref<128x256xf32, #tpu.memory_space<hbm>>) target(%arg12 : memref<128x256xf32, #tpu.memory_space<vmem>>) target_semaphore(%arg14 : memref<!tpu.dma_semaphore, #tpu.memory_space<semaphore_mem>>)
      %mul3A_280 = arith.constant 2 : i32
      %mul3A_281 = arith.muli %mul3A_280, %scan3A_257 : i32
      %mul3A_282 = arith.constant 32 : i32
      %mul3A_283 = arith.muli %mul3A_281, %mul3A_282 : i32
      %scan3A_284 = arith.constant 0 : i32
      %scan3A_285 = arith.constant 32 : i32
      %scan3A_286 = arith.addi %scan3A_284, %scan3A_285 : i32
      %scan3A_287 = arith.constant 1 : i32
      scf.for %scan3A_344 = %scan3A_284 to %scan3A_286 step %scan3A_287  : i32 {
        %add3A_345 = arith.addi %mul3A_283, %scan3A_344 : i32
        %mul3A_346 = arith.constant 16 : i32
        %mul3A_347 = arith.muli %add3A_345, %mul3A_346 : i32
        %multiple_of3A = tpu.assume_multiple %mul3A_347, 16 : i32
        %get3A = arith.index_cast %multiple_of3A : i32 to index
        %get3A_348 = tpu.vector_load %arg8[%get3A] {strides = array<i32>} : memref<16384xi32, #tpu.memory_space<vmem>>, vector<16xi32>,
        %sub3A_349 = vector.broadcast %mul3A_2 : i32 to vector<16xi32>
        %sub3A_350 = arith.subi %get3A_348, %sub3A_349 : vector<16xi32>
        %ge3A = arith.constant 0 : i32
        %ge3A_351 = vector.broadcast %ge3A : i32 to vector<16xi32>
        %ge3A_352 = arith.cmpi sge, %sub3A_350, %ge3A_351 : vector<16xi32>
        %lt3A = arith.constant 4096 : i32
        %lt3A_353 = vector.broadcast %lt3A : i32 to vector<16xi32>
        %lt3A_354 = arith.cmpi slt, %sub3A_350, %lt3A_353 : vector<16xi32>
        %and3A_355 = arith.andi %ge3A_352, %lt3A_354 : vector<16xi1>
        %jit3A = arith.constant 4096 : i32
        %broadcast_in_dim3A_356 = vector.broadcast %jit3A : i32 to vector<16xi32>
        %select_n3A = arith.select %and3A_355, %sub3A_350, %broadcast_in_dim3A_356 : vector<16xi1>, vector<16xi32>
        %broadcast_in_dim3A_357 = arith.constant true
        %broadcast_in_dim3A_358 = vector.broadcast %broadcast_in_dim3A_357 : i1 to vector<16xi1>
        %unique3A, %unique3A_359 = tpu.scan_count mask(%broadcast_in_dim3A_358 : vector<16xi1>) value(%select_n3A : vector<16xi32>) : vector<16xi1>, vector<16xi32>
        %mul3A_360 = arith.constant 16 : i32
        %mul3A_361 = arith.muli %add3A_345, %mul3A_360 : i32
        %add3A_362 = vector.broadcast %mul3A_361 : i32 to vector<16xi32>
        %add3A_363 = arith.addi %add3A_362, %iota3A : vector<16xi32>
        tpu.vector_store_idx %arg9[%select_n3A], %add3A_363 masked %unique3A : memref<4112xi32, #tpu.memory_space<vmem>>[vector<16xi32>], vector<16xi32>, vector<16xi1>
      }
      %scan3A_288 = arith.constant 32 : i32
      %sub3A_289 = arith.constant 2 : i32
      %sub3A_290 = arith.subi %add3A_263, %sub3A_289 : i32
      %mul3A_291 = arith.constant 128 : i32
      %mul3A_292 = arith.muli %sub3A_290, %mul3A_291 : i32
      %add3A_293 = arith.addi %mul3A_2, %mul3A_292 : i32
      %dma_wait3A_294 = arith.constant 0 : i32
      %dma_wait3A_295 = tpu.memref_slice %arg7[%add3A_293, %dma_wait3A_294] : memref<172032x256xf32, #tpu.memory_space<hbm>> -> memref<128x256xf32, #tpu.memory_space<hbm>>
      %dma_wait3A_296 = arith.constant 0 : i32
      %dma_wait3A_297 = tpu.memref_slice %arg7[%add3A_293, %dma_wait3A_296] : memref<172032x256xf32, #tpu.memory_space<hbm>> -> memref<128x256xf32, #tpu.memory_space<hbm>>
      tpu.wait_dma2 semaphore(%arg17 : memref<!tpu.dma_semaphore, #tpu.memory_space<semaphore_mem>>) src(%arg13 : memref<128x256xf32, #tpu.memory_space<vmem>>) dst(%dma_wait3A_297 : memref<128x256xf32, #tpu.memory_space<hbm>>)
      %mul3A_298 = arith.constant 128 : i32
      %mul3A_299 = arith.muli %add3A_263, %mul3A_298 : i32
      %add3A_300 = arith.addi %mul3A_2, %mul3A_299 : i32
      %dma_start3A_301 = arith.constant 0 : i32
      %dma_start3A_302 = tpu.memref_slice %arg2[%add3A_300, %dma_start3A_301] : memref<131072x256xf32, #tpu.memory_space<hbm>> -> memref<128x256xf32, #tpu.memory_space<hbm>>
      %dma_start3A_303 = arith.constant 0 : i32
      %dma_start3A_304 = tpu.memref_slice %arg2[%add3A_300, %dma_start3A_303] : memref<131072x256xf32, #tpu.memory_space<hbm>> -> memref<128x256xf32, #tpu.memory_space<hbm>>
      tpu.enqueue_dma source(%dma_start3A_304 : memref<128x256xf32, #tpu.memory_space<hbm>>) target(%arg13 : memref<128x256xf32, #tpu.memory_space<vmem>>) target_semaphore(%arg15 : memref<!tpu.dma_semaphore, #tpu.memory_space<semaphore_mem>>)
      %mul3A_305 = arith.constant 2 : i32
      %mul3A_306 = arith.muli %mul3A_305, %scan3A_257 : i32
      %add3A_307 = arith.constant 1 : i32
      %add3A_308 = arith.addi %mul3A_306, %add3A_307 : i32
      %mul3A_309 = arith.constant 32 : i32
      %mul3A_310 = arith.muli %add3A_308, %mul3A_309 : i32
      %scan3A_311 = arith.constant 0 : i32
      %scan3A_312 = arith.constant 32 : i32
      %scan3A_313 = arith.addi %scan3A_311, %scan3A_312 : i32
      %scan3A_314 = arith.constant 1 : i32
      scf.for %scan3A_344 = %scan3A_311 to %scan3A_313 step %scan3A_314  : i32 {
        %add3A_345 = arith.addi %mul3A_310, %scan3A_344 : i32
        %mul3A_346 = arith.constant 16 : i32
        %mul3A_347 = arith.muli %add3A_345, %mul3A_346 : i32
        %multiple_of3A = tpu.assume_multiple %mul3A_347, 16 : i32
        %get3A = arith.index_cast %multiple_of3A : i32 to index
        %get3A_348 = tpu.vector_load %arg8[%get3A] {strides = array<i32>} : memref<16384xi32, #tpu.memory_space<vmem>>, vector<16xi32>,
        %sub3A_349 = vector.broadcast %mul3A_2 : i32 to vector<16xi32>
        %sub3A_350 = arith.subi %get3A_348, %sub3A_349 : vector<16xi32>
        %ge3A = arith.constant 0 : i32
        %ge3A_351 = vector.broadcast %ge3A : i32 to vector<16xi32>
        %ge3A_352 = arith.cmpi sge, %sub3A_350, %ge3A_351 : vector<16xi32>
        %lt3A = arith.constant 4096 : i32
        %lt3A_353 = vector.broadcast %lt3A : i32 to vector<16xi32>
        %lt3A_354 = arith.cmpi slt, %sub3A_350, %lt3A_353 : vector<16xi32>
        %and3A_355 = arith.andi %ge3A_352, %lt3A_354 : vector<16xi1>
        %jit3A = arith.constant 4096 : i32
        %broadcast_in_dim3A_356 = vector.broadcast %jit3A : i32 to vector<16xi32>
        %select_n3A = arith.select %and3A_355, %sub3A_350, %broadcast_in_dim3A_356 : vector<16xi1>, vector<16xi32>
        %broadcast_in_dim3A_357 = arith.constant true
        %broadcast_in_dim3A_358 = vector.broadcast %broadcast_in_dim3A_357 : i1 to vector<16xi1>
        %unique3A, %unique3A_359 = tpu.scan_count mask(%broadcast_in_dim3A_358 : vector<16xi1>) value(%select_n3A : vector<16xi32>) : vector<16xi1>, vector<16xi32>
        %mul3A_360 = arith.constant 16 : i32
        %mul3A_361 = arith.muli %add3A_345, %mul3A_360 : i32
        %add3A_362 = vector.broadcast %mul3A_361 : i32 to vector<16xi32>
        %add3A_363 = arith.addi %add3A_362, %iota3A : vector<16xi32>
        tpu.vector_store_idx %arg9[%select_n3A], %add3A_363 masked %unique3A : memref<4112xi32, #tpu.memory_space<vmem>>[vector<16xi32>], vector<16xi32>, vector<16xi1>
      }
      %scan3A_315 = arith.constant 32 : i32
      %mul3A_316 = arith.constant 128 : i32
      %mul3A_317 = arith.muli %mul3A_259, %mul3A_316 : i32
      %add3A_318 = arith.addi %mul3A_2, %mul3A_317 : i32
      %dma_wait3A_319 = arith.constant 0 : i32
      %dma_wait3A_320 = tpu.memref_slice %arg2[%add3A_318, %dma_wait3A_319] : memref<131072x256xf32, #tpu.memory_space<hbm>> -> memref<128x256xf32, #tpu.memory_space<hbm>>
      %dma_wait3A_321 = arith.constant 0 : i32
      %dma_wait3A_322 = tpu.memref_slice %arg2[%add3A_318, %dma_wait3A_321] : memref<131072x256xf32, #tpu.memory_space<hbm>> -> memref<128x256xf32, #tpu.memory_space<hbm>>
      tpu.wait_dma2 semaphore(%arg14 : memref<!tpu.dma_semaphore, #tpu.memory_space<semaphore_mem>>) src(%dma_wait3A_322 : memref<128x256xf32, #tpu.memory_space<hbm>>) dst(%arg12 : memref<128x256xf32, #tpu.memory_space<vmem>>)
      %mul3A_323 = arith.constant 128 : i32
      %mul3A_324 = arith.muli %mul3A_259, %mul3A_323 : i32
      %add3A_325 = arith.addi %mul3A_2, %mul3A_324 : i32
      %dma_start3A_326 = arith.constant 0 : i32
      %dma_start3A_327 = tpu.memref_slice %arg7[%add3A_325, %dma_start3A_326] : memref<172032x256xf32, #tpu.memory_space<hbm>> -> memref<128x256xf32, #tpu.memory_space<hbm>>
      %dma_start3A_328 = arith.constant 0 : i32
      %dma_start3A_329 = tpu.memref_slice %arg7[%add3A_325, %dma_start3A_328] : memref<172032x256xf32, #tpu.memory_space<hbm>> -> memref<128x256xf32, #tpu.memory_space<hbm>>
      tpu.enqueue_dma source(%arg12 : memref<128x256xf32, #tpu.memory_space<vmem>>) target(%dma_start3A_329 : memref<128x256xf32, #tpu.memory_space<hbm>>) target_semaphore(%arg16 : memref<!tpu.dma_semaphore, #tpu.memory_space<semaphore_mem>>)
      %mul3A_330 = arith.constant 128 : i32
      %mul3A_331 = arith.muli %add3A_263, %mul3A_330 : i32
      %add3A_332 = arith.addi %mul3A_2, %mul3A_331 : i32
      %dma_wait3A_333 = arith.constant 0 : i32
      %dma_wait3A_334 = tpu.memref_slice %arg2[%add3A_332, %dma_wait3A_333] : memref<131072x256xf32, #tpu.memory_space<hbm>> -> memref<128x256xf32, #tpu.memory_space<hbm>>
      %dma_wait3A_335 = arith.constant 0 : i32
      %dma_wait3A_336 = tpu.memref_slice %arg2[%add3A_332, %dma_wait3A_335] : memref<131072x256xf32, #tpu.memory_space<hbm>> -> memref<128x256xf32, #tpu.memory_space<hbm>>
      tpu.wait_dma2 semaphore(%arg15 : memref<!tpu.dma_semaphore, #tpu.memory_space<semaphore_mem>>) src(%dma_wait3A_336 : memref<128x256xf32, #tpu.memory_space<hbm>>) dst(%arg13 : memref<128x256xf32, #tpu.memory_space<vmem>>)
      %mul3A_337 = arith.constant 128 : i32
      %mul3A_338 = arith.muli %add3A_263, %mul3A_337 : i32
      %add3A_339 = arith.addi %mul3A_2, %mul3A_338 : i32
      %dma_start3A_340 = arith.constant 0 : i32
      %dma_start3A_341 = tpu.memref_slice %arg7[%add3A_339, %dma_start3A_340] : memref<172032x256xf32, #tpu.memory_space<hbm>> -> memref<128x256xf32, #tpu.memory_space<hbm>>
      %dma_start3A_342 = arith.constant 0 : i32
      %dma_start3A_343 = tpu.memref_slice %arg7[%add3A_339, %dma_start3A_342] : memref<172032x256xf32, #tpu.memory_space<hbm>> -> memref<128x256xf32, #tpu.memory_space<hbm>>
      tpu.enqueue_dma source(%arg13 : memref<128x256xf32, #tpu.memory_space<vmem>>) target(%dma_start3A_343 : memref<128x256xf32, #tpu.memory_space<hbm>>) target_semaphore(%arg17 : memref<!tpu.dma_semaphore, #tpu.memory_space<semaphore_mem>>)
    }
    %scan3A_61 = arith.constant 15 : i32
    %add3A_62 = arith.constant 3840 : i32
    %add3A_63 = arith.addi %mul3A_2, %add3A_62 : i32
    %dma_wait3A_64 = arith.constant 0 : i32
    %dma_wait3A_65 = tpu.memref_slice %arg7[%add3A_63, %dma_wait3A_64] : memref<172032x256xf32, #tpu.memory_space<hbm>> -> memref<128x256xf32, #tpu.memory_space<hbm>>
    %dma_wait3A_66 = arith.constant 0 : i32
    %dma_wait3A_67 = tpu.memref_slice %arg7[%add3A_63, %dma_wait3A_66] : memref<172032x256xf32, #tpu.memory_space<hbm>> -> memref<128x256xf32, #tpu.memory_space<hbm>>
    tpu.wait_dma2 semaphore(%arg16 : memref<!tpu.dma_semaphore, #tpu.memory_space<semaphore_mem>>) src(%arg12 : memref<128x256xf32, #tpu.memory_space<vmem>>) dst(%dma_wait3A_67 : memref<128x256xf32, #tpu.memory_space<hbm>>)
    %add3A_68 = arith.constant 3968 : i32
    %add3A_69 = arith.addi %mul3A_2, %add3A_68 : i32
    %dma_wait3A_70 = arith.constant 0 : i32
    %dma_wait3A_71 = tpu.memref_slice %arg7[%add3A_69, %dma_wait3A_70] : memref<172032x256xf32, #tpu.memory_space<hbm>> -> memref<128x256xf32, #tpu.memory_space<hbm>>
    %dma_wait3A_72 = arith.constant 0 : i32
    %dma_wait3A_73 = tpu.memref_slice %arg7[%add3A_69, %dma_wait3A_72] : memref<172032x256xf32, #tpu.memory_space<hbm>> -> memref<128x256xf32, #tpu.memory_space<hbm>>
    tpu.wait_dma2 semaphore(%arg17 : memref<!tpu.dma_semaphore, #tpu.memory_space<semaphore_mem>>) src(%arg13 : memref<128x256xf32, #tpu.memory_space<vmem>>) dst(%dma_wait3A_73 : memref<128x256xf32, #tpu.memory_space<hbm>>)
    %mul3A_74 = arith.constant 1024 : i32
    %mul3A_75 = arith.muli %add3A, %mul3A_74 : i32
    %mul3A_76 = arith.constant 1024 : i32
    %mul3A_77 = arith.muli %add3A, %mul3A_76 : i32
    %add3A_78 = arith.constant 131072 : i32
    %add3A_79 = arith.addi %add3A_78, %mul3A_77 : i32
    %add3A_80 = arith.constant 0 : i32
    %add3A_81 = arith.addi %mul3A_75, %add3A_80 : i32
    %dma_start3A_82 = arith.constant 0 : i32
    %dma_start3A_83 = tpu.memref_slice %arg3[%add3A_81, %dma_start3A_82] : memref<32768x256xf32, #tpu.memory_space<hbm>> -> memref<128x256xf32, #tpu.memory_space<hbm>>
    %dma_start3A_84 = arith.constant 0 : i32
    %dma_start3A_85 = tpu.memref_slice %arg3[%add3A_81, %dma_start3A_84] : memref<32768x256xf32, #tpu.memory_space<hbm>> -> memref<128x256xf32, #tpu.memory_space<hbm>>
    tpu.enqueue_dma source(%dma_start3A_85 : memref<128x256xf32, #tpu.memory_space<hbm>>) target(%arg12 : memref<128x256xf32, #tpu.memory_space<vmem>>) target_semaphore(%arg14 : memref<!tpu.dma_semaphore, #tpu.memory_space<semaphore_mem>>)
    %add3A_86 = arith.constant 128 : i32
    %add3A_87 = arith.addi %mul3A_75, %add3A_86 : i32
    %dma_start3A_88 = arith.constant 0 : i32
    %dma_start3A_89 = tpu.memref_slice %arg3[%add3A_87, %dma_start3A_88] : memref<32768x256xf32, #tpu.memory_space<hbm>> -> memref<128x256xf32, #tpu.memory_space<hbm>>
    %dma_start3A_90 = arith.constant 0 : i32
    %dma_start3A_91 = tpu.memref_slice %arg3[%add3A_87, %dma_start3A_90] : memref<32768x256xf32, #tpu.memory_space<hbm>> -> memref<128x256xf32, #tpu.memory_space<hbm>>
    tpu.enqueue_dma source(%dma_start3A_91 : memref<128x256xf32, #tpu.memory_space<hbm>>) target(%arg13 : memref<128x256xf32, #tpu.memory_space<vmem>>) target_semaphore(%arg15 : memref<!tpu.dma_semaphore, #tpu.memory_space<semaphore_mem>>)
    %scan3A_92 = arith.constant 0 : i32
    %scan3A_93 = arith.constant -1 : i32
    %scan3A_94 = arith.constant 0 : i32
    %scan3A_95 = arith.constant 32 : i32
    %scan3A_96 = arith.addi %scan3A_94, %scan3A_95 : i32
    %scan3A_97 = arith.constant 1 : i32
    %scan3A_98:2 = scf.for %scan3A_257 = %scan3A_94 to %scan3A_96 step %scan3A_97 iter_args(%scan3A_258 = %scan3A_92, %scan3A_259 = %scan3A_93) -> (i32, i32)  : i32 {
      %add3A_260 = arith.constant 0 : i32
      %add3A_261 = arith.addi %add3A_260, %scan3A_257 : i32
      %mul3A_262 = arith.constant 16 : i32
      %mul3A_263 = arith.muli %add3A_261, %mul3A_262 : i32
      %multiple_of3A = tpu.assume_multiple %mul3A_263, 16 : i32
      %get3A = arith.index_cast %multiple_of3A : i32 to index
      %get3A_264 = tpu.vector_load %arg9[%get3A] {strides = array<i32>} : memref<4112xi32, #tpu.memory_space<vmem>>, vector<16xi32>,
      %ge3A = arith.constant 0 : i32
      %ge3A_265 = vector.broadcast %ge3A : i32 to vector<16xi32>
      %ge3A_266 = arith.cmpi sge, %get3A_264, %ge3A_265 : vector<16xi32>
      %convert_element_type3A_267 = arith.extui %ge3A_266 : vector<16xi1> to vector<16xi32>
      %broadcast_in_dim3A_268 = arith.constant true
      %broadcast_in_dim3A_269 = vector.broadcast %broadcast_in_dim3A_268 : i1 to vector<16xi1>
      %masked_cumsum3A = tpu.scan <sum>, %convert_element_type3A_267 masked %broadcast_in_dim3A_269 : vector<16xi32>, vector<16xi1> -> vector<16xi32>
      %add3A_270 = vector.broadcast %scan3A_258 : i32 to vector<16xi32>
      %add3A_271 = arith.addi %add3A_270, %masked_cumsum3A : vector<16xi32>
      %sub3A_272 = arith.constant 1 : i32
      %sub3A_273 = vector.broadcast %sub3A_272 : i32 to vector<16xi32>
      %sub3A_274 = arith.subi %add3A_271, %sub3A_273 : vector<16xi32>
      %mul3A_275 = arith.constant 16 : i32
      %mul3A_276 = arith.muli %add3A_261, %mul3A_275 : i32
      %add3A_277 = arith.addi %mul3A_2, %mul3A_276 : i32
      %add3A_278 = vector.broadcast %add3A_277 : i32 to vector<16xi32>
      %add3A_279 = arith.addi %add3A_278, %iota3A : vector<16xi32>
      %shift_right_arithmetic3A_280 = arith.constant 7 : i32
      %shift_right_arithmetic3A_281 = vector.broadcast %shift_right_arithmetic3A_280 : i32 to vector<16xi32>
      %shift_right_arithmetic3A_282 = arith.shrsi %sub3A_274, %shift_right_arithmetic3A_281 : vector<16xi32>
      %and3A_283 = arith.constant 127 : i32
      %and3A_284 = vector.broadcast %and3A_283 : i32 to vector<16xi32>
      %and3A_285 = arith.andi %sub3A_274, %and3A_284 : vector<16xi32>
      tpu.vector_store_idx %arg10[%shift_right_arithmetic3A_282, %and3A_285], %add3A_279 masked %ge3A_266 : memref<128x128xi32, #tpu.memory_space<vmem>>[vector<16xi32>, vector<16xi32>], vector<16xi32>, vector<16xi1>
      %shift_right_arithmetic3A_286 = arith.constant 7 : i32
      %shift_right_arithmetic3A_287 = vector.broadcast %shift_right_arithmetic3A_286 : i32 to vector<16xi32>
      %shift_right_arithmetic3A_288 = arith.shrsi %sub3A_274, %shift_right_arithmetic3A_287 : vector<16xi32>
      %and3A_289 = arith.constant 127 : i32
      %and3A_290 = vector.broadcast %and3A_289 : i32 to vector<16xi32>
      %and3A_291 = arith.andi %sub3A_274, %and3A_290 : vector<16xi32>
      tpu.vector_store_idx %arg11[%shift_right_arithmetic3A_288, %and3A_291], %get3A_264 masked %ge3A_266 : memref<128x128xi32, #tpu.memory_space<vmem>>[vector<16xi32>, vector<16xi32>], vector<16xi32>, vector<16xi1>
      %mul3A_292 = arith.constant 16 : i32
      %mul3A_293 = arith.muli %add3A_261, %mul3A_292 : i32
      %add3A_294 = vector.broadcast %mul3A_293 : i32 to vector<16xi32>
      %add3A_295 = arith.addi %add3A_294, %iota3A : vector<16xi32>
      %shift_left3A = arith.constant 14 : i32
      %shift_left3A_296 = vector.broadcast %shift_left3A : i32 to vector<16xi32>
      %shift_left3A_297 = arith.shli %add3A_295, %shift_left3A_296 : vector<16xi32>
      %or3A = arith.ori %shift_left3A_297, %get3A_264 : vector<16xi32>
      %jit3A = arith.constant -1 : i32
      %broadcast_in_dim3A_298 = vector.broadcast %jit3A : i32 to vector<16xi32>
      %select_n3A = arith.select %ge3A_266, %or3A, %broadcast_in_dim3A_298 : vector<16xi1>, vector<16xi32>
      %reduce_sum3A = arith.constant true
      %reduce_sum3A_299 = vector.broadcast %reduce_sum3A : i1 to vector<16xi1>
      %reduce_sum3A_300 = tpu.scan <sum>, %convert_element_type3A_267 masked %reduce_sum3A_299 : vector<16xi32>, vector<16xi1> -> vector<16xi32>
      %reduce_sum3A_301 = vector.extract %reduce_sum3A_300[15] : i32 from vector<16xi32>
      %add3A_302 = arith.addi %scan3A_258, %reduce_sum3A_301 : i32
      %reduce_max3A = arith.constant true
      %reduce_max3A_303 = vector.broadcast %reduce_max3A : i1 to vector<16xi1>
      %reduce_max3A_304 = arith.constant -2147483648 : i32
      %reduce_max3A_305 = vector.broadcast %reduce_max3A_304 : i32 to vector<16xi32>
      %reduce_max3A_306 = arith.xori %select_n3A, %reduce_max3A_305 : vector<16xi32>
      %reduce_max3A_307 = tpu.scan <max>, %reduce_max3A_306 masked %reduce_max3A_303 : vector<16xi32>, vector<16xi1> -> vector<16xi32>
      %reduce_max3A_308 = arith.xori %reduce_max3A_307, %reduce_max3A_305 : vector<16xi32>
      %reduce_max3A_309 = vector.extract %reduce_max3A_308[15] : i32 from vector<16xi32>
      %max3A = arith.maxsi %scan3A_259, %reduce_max3A_309 : i32
      scf.yield %add3A_302, %max3A : i32, i32
    }
    %scan3A_99 = arith.constant 32 : i32
    %add3A_100 = arith.constant 0 : i32
    %add3A_101 = arith.addi %mul3A_75, %add3A_100 : i32
    %dma_wait3A_102 = arith.constant 0 : i32
    %dma_wait3A_103 = tpu.memref_slice %arg3[%add3A_101, %dma_wait3A_102] : memref<32768x256xf32, #tpu.memory_space<hbm>> -> memref<128x256xf32, #tpu.memory_space<hbm>>
    %dma_wait3A_104 = arith.constant 0 : i32
    %dma_wait3A_105 = tpu.memref_slice %arg3[%add3A_101, %dma_wait3A_104] : memref<32768x256xf32, #tpu.memory_space<hbm>> -> memref<128x256xf32, #tpu.memory_space<hbm>>
    tpu.wait_dma2 semaphore(%arg14 : memref<!tpu.dma_semaphore, #tpu.memory_space<semaphore_mem>>) src(%dma_wait3A_105 : memref<128x256xf32, #tpu.memory_space<hbm>>) dst(%arg12 : memref<128x256xf32, #tpu.memory_space<vmem>>)
    %add3A_106 = arith.constant 0 : i32
    %add3A_107 = arith.addi %add3A_79, %add3A_106 : i32
    %dma_start3A_108 = arith.constant 0 : i32
    %dma_start3A_109 = tpu.memref_slice %arg7[%add3A_107, %dma_start3A_108] : memref<172032x256xf32, #tpu.memory_space<hbm>> -> memref<128x256xf32, #tpu.memory_space<hbm>>
    %dma_start3A_110 = arith.constant 0 : i32
    %dma_start3A_111 = tpu.memref_slice %arg7[%add3A_107, %dma_start3A_110] : memref<172032x256xf32, #tpu.memory_space<hbm>> -> memref<128x256xf32, #tpu.memory_space<hbm>>
    tpu.enqueue_dma source(%arg12 : memref<128x256xf32, #tpu.memory_space<vmem>>) target(%dma_start3A_111 : memref<128x256xf32, #tpu.memory_space<hbm>>) target_semaphore(%arg16 : memref<!tpu.dma_semaphore, #tpu.memory_space<semaphore_mem>>)
    %scan3A_112 = arith.constant 0 : i32
    %scan3A_113 = arith.constant 32 : i32
    %scan3A_114 = arith.addi %scan3A_112, %scan3A_113 : i32
    %scan3A_115 = arith.constant 1 : i32
    %scan3A_116:2 = scf.for %scan3A_257 = %scan3A_112 to %scan3A_114 step %scan3A_115 iter_args(%scan3A_258 = %scan3A_98#0, %scan3A_259 = %scan3A_98#1) -> (i32, i32)  : i32 {
      %add3A_260 = arith.constant 32 : i32
      %add3A_261 = arith.addi %add3A_260, %scan3A_257 : i32
      %mul3A_262 = arith.constant 16 : i32
      %mul3A_263 = arith.muli %add3A_261, %mul3A_262 : i32
      %multiple_of3A = tpu.assume_multiple %mul3A_263, 16 : i32
      %get3A = arith.index_cast %multiple_of3A : i32 to index
      %get3A_264 = tpu.vector_load %arg9[%get3A] {strides = array<i32>} : memref<4112xi32, #tpu.memory_space<vmem>>, vector<16xi32>,
      %ge3A = arith.constant 0 : i32
      %ge3A_265 = vector.broadcast %ge3A : i32 to vector<16xi32>
      %ge3A_266 = arith.cmpi sge, %get3A_264, %ge3A_265 : vector<16xi32>
      %convert_element_type3A_267 = arith.extui %ge3A_266 : vector<16xi1> to vector<16xi32>
      %broadcast_in_dim3A_268 = arith.constant true
      %broadcast_in_dim3A_269 = vector.broadcast %broadcast_in_dim3A_268 : i1 to vector<16xi1>
      %masked_cumsum3A = tpu.scan <sum>, %convert_element_type3A_267 masked %broadcast_in_dim3A_269 : vector<16xi32>, vector<16xi1> -> vector<16xi32>
      %add3A_270 = vector.broadcast %scan3A_258 : i32 to vector<16xi32>
      %add3A_271 = arith.addi %add3A_270, %masked_cumsum3A : vector<16xi32>
      %sub3A_272 = arith.constant 1 : i32
      %sub3A_273 = vector.broadcast %sub3A_272 : i32 to vector<16xi32>
      %sub3A_274 = arith.subi %add3A_271, %sub3A_273 : vector<16xi32>
      %mul3A_275 = arith.constant 16 : i32
      %mul3A_276 = arith.muli %add3A_261, %mul3A_275 : i32
      %add3A_277 = arith.addi %mul3A_2, %mul3A_276 : i32
      %add3A_278 = vector.broadcast %add3A_277 : i32 to vector<16xi32>
      %add3A_279 = arith.addi %add3A_278, %iota3A : vector<16xi32>
      %shift_right_arithmetic3A_280 = arith.constant 7 : i32
      %shift_right_arithmetic3A_281 = vector.broadcast %shift_right_arithmetic3A_280 : i32 to vector<16xi32>
      %shift_right_arithmetic3A_282 = arith.shrsi %sub3A_274, %shift_right_arithmetic3A_281 : vector<16xi32>
      %and3A_283 = arith.constant 127 : i32
      %and3A_284 = vector.broadcast %and3A_283 : i32 to vector<16xi32>
      %and3A_285 = arith.andi %sub3A_274, %and3A_284 : vector<16xi32>
      tpu.vector_store_idx %arg10[%shift_right_arithmetic3A_282, %and3A_285], %add3A_279 masked %ge3A_266 : memref<128x128xi32, #tpu.memory_space<vmem>>[vector<16xi32>, vector<16xi32>], vector<16xi32>, vector<16xi1>
      %shift_right_arithmetic3A_286 = arith.constant 7 : i32
      %shift_right_arithmetic3A_287 = vector.broadcast %shift_right_arithmetic3A_286 : i32 to vector<16xi32>
      %shift_right_arithmetic3A_288 = arith.shrsi %sub3A_274, %shift_right_arithmetic3A_287 : vector<16xi32>
      %and3A_289 = arith.constant 127 : i32
      %and3A_290 = vector.broadcast %and3A_289 : i32 to vector<16xi32>
      %and3A_291 = arith.andi %sub3A_274, %and3A_290 : vector<16xi32>
      tpu.vector_store_idx %arg11[%shift_right_arithmetic3A_288, %and3A_291], %get3A_264 masked %ge3A_266 : memref<128x128xi32, #tpu.memory_space<vmem>>[vector<16xi32>, vector<16xi32>], vector<16xi32>, vector<16xi1>
      %mul3A_292 = arith.constant 16 : i32
      %mul3A_293 = arith.muli %add3A_261, %mul3A_292 : i32
      %add3A_294 = vector.broadcast %mul3A_293 : i32 to vector<16xi32>
      %add3A_295 = arith.addi %add3A_294, %iota3A : vector<16xi32>
      %shift_left3A = arith.constant 14 : i32
      %shift_left3A_296 = vector.broadcast %shift_left3A : i32 to vector<16xi32>
      %shift_left3A_297 = arith.shli %add3A_295, %shift_left3A_296 : vector<16xi32>
      %or3A = arith.ori %shift_left3A_297, %get3A_264 : vector<16xi32>
      %jit3A = arith.constant -1 : i32
      %broadcast_in_dim3A_298 = vector.broadcast %jit3A : i32 to vector<16xi32>
      %select_n3A = arith.select %ge3A_266, %or3A, %broadcast_in_dim3A_298 : vector<16xi1>, vector<16xi32>
      %reduce_sum3A = arith.constant true
      %reduce_sum3A_299 = vector.broadcast %reduce_sum3A : i1 to vector<16xi1>
      %reduce_sum3A_300 = tpu.scan <sum>, %convert_element_type3A_267 masked %reduce_sum3A_299 : vector<16xi32>, vector<16xi1> -> vector<16xi32>
      %reduce_sum3A_301 = vector.extract %reduce_sum3A_300[15] : i32 from vector<16xi32>
      %add3A_302 = arith.addi %scan3A_258, %reduce_sum3A_301 : i32
      %reduce_max3A = arith.constant true
      %reduce_max3A_303 = vector.broadcast %reduce_max3A : i1 to vector<16xi1>
      %reduce_max3A_304 = arith.constant -2147483648 : i32
      %reduce_max3A_305 = vector.broadcast %reduce_max3A_304 : i32 to vector<16xi32>
      %reduce_max3A_306 = arith.xori %select_n3A, %reduce_max3A_305 : vector<16xi32>
      %reduce_max3A_307 = tpu.scan <max>, %reduce_max3A_306 masked %reduce_max3A_303 : vector<16xi32>, vector<16xi1> -> vector<16xi32>
      %reduce_max3A_308 = arith.xori %reduce_max3A_307, %reduce_max3A_305 : vector<16xi32>
      %reduce_max3A_309 = vector.extract %reduce_max3A_308[15] : i32 from vector<16xi32>
      %max3A = arith.maxsi %scan3A_259, %reduce_max3A_309 : i32
      scf.yield %add3A_302, %max3A : i32, i32
    }
    %scan3A_117 = arith.constant 32 : i32
    %add3A_118 = arith.constant 128 : i32
    %add3A_119 = arith.addi %mul3A_75, %add3A_118 : i32
    %dma_wait3A_120 = arith.constant 0 : i32
    %dma_wait3A_121 = tpu.memref_slice %arg3[%add3A_119, %dma_wait3A_120] : memref<32768x256xf32, #tpu.memory_space<hbm>> -> memref<128x256xf32, #tpu.memory_space<hbm>>
    %dma_wait3A_122 = arith.constant 0 : i32
    %dma_wait3A_123 = tpu.memref_slice %arg3[%add3A_119, %dma_wait3A_122] : memref<32768x256xf32, #tpu.memory_space<hbm>> -> memref<128x256xf32, #tpu.memory_space<hbm>>
    tpu.wait_dma2 semaphore(%arg15 : memref<!tpu.dma_semaphore, #tpu.memory_space<semaphore_mem>>) src(%dma_wait3A_123 : memref<128x256xf32, #tpu.memory_space<hbm>>) dst(%arg13 : memref<128x256xf32, #tpu.memory_space<vmem>>)
    %add3A_124 = arith.constant 128 : i32
    %add3A_125 = arith.addi %add3A_79, %add3A_124 : i32
    %dma_start3A_126 = arith.constant 0 : i32
    %dma_start3A_127 = tpu.memref_slice %arg7[%add3A_125, %dma_start3A_126] : memref<172032x256xf32, #tpu.memory_space<hbm>> -> memref<128x256xf32, #tpu.memory_space<hbm>>
    %dma_start3A_128 = arith.constant 0 : i32
    %dma_start3A_129 = tpu.memref_slice %arg7[%add3A_125, %dma_start3A_128] : memref<172032x256xf32, #tpu.memory_space<hbm>> -> memref<128x256xf32, #tpu.memory_space<hbm>>
    tpu.enqueue_dma source(%arg13 : memref<128x256xf32, #tpu.memory_space<vmem>>) target(%dma_start3A_129 : memref<128x256xf32, #tpu.memory_space<hbm>>) target_semaphore(%arg17 : memref<!tpu.dma_semaphore, #tpu.memory_space<semaphore_mem>>)
    %scan3A_130 = arith.constant 1 : i32
    %scan3A_131 = arith.constant 3 : i32
    %scan3A_132 = arith.addi %scan3A_130, %scan3A_131 : i32
    %scan3A_133 = arith.constant 1 : i32
    %scan3A_134:2 = scf.for %scan3A_257 = %scan3A_130 to %scan3A_132 step %scan3A_133 iter_args(%scan3A_258 = %scan3A_116#0, %scan3A_259 = %scan3A_116#1) -> (i32, i32)  : i32 {
      %mul3A_260 = arith.constant 2 : i32
      %mul3A_261 = arith.muli %mul3A_260, %scan3A_257 : i32
      %mul3A_262 = arith.constant 2 : i32
      %mul3A_263 = arith.muli %mul3A_262, %scan3A_257 : i32
      %add3A_264 = arith.constant 1 : i32
      %add3A_265 = arith.addi %mul3A_263, %add3A_264 : i32
      %sub3A_266 = arith.constant 2 : i32
      %sub3A_267 = arith.subi %mul3A_261, %sub3A_266 : i32
      %mul3A_268 = arith.constant 128 : i32
      %mul3A_269 = arith.muli %sub3A_267, %mul3A_268 : i32
      %add3A_270 = arith.addi %add3A_79, %mul3A_269 : i32
      %dma_wait3A_271 = arith.constant 0 : i32
      %dma_wait3A_272 = tpu.memref_slice %arg7[%add3A_270, %dma_wait3A_271] : memref<172032x256xf32, #tpu.memory_space<hbm>> -> memref<128x256xf32, #tpu.memory_space<hbm>>
      %dma_wait3A_273 = arith.constant 0 : i32
      %dma_wait3A_274 = tpu.memref_slice %arg7[%add3A_270, %dma_wait3A_273] : memref<172032x256xf32, #tpu.memory_space<hbm>> -> memref<128x256xf32, #tpu.memory_space<hbm>>
      tpu.wait_dma2 semaphore(%arg16 : memref<!tpu.dma_semaphore, #tpu.memory_space<semaphore_mem>>) src(%arg12 : memref<128x256xf32, #tpu.memory_space<vmem>>) dst(%dma_wait3A_274 : memref<128x256xf32, #tpu.memory_space<hbm>>)
      %mul3A_275 = arith.constant 128 : i32
      %mul3A_276 = arith.muli %mul3A_261, %mul3A_275 : i32
      %add3A_277 = arith.addi %mul3A_75, %mul3A_276 : i32
      %dma_start3A_278 = arith.constant 0 : i32
      %dma_start3A_279 = tpu.memref_slice %arg3[%add3A_277, %dma_start3A_278] : memref<32768x256xf32, #tpu.memory_space<hbm>> -> memref<128x256xf32, #tpu.memory_space<hbm>>
      %dma_start3A_280 = arith.constant 0 : i32
      %dma_start3A_281 = tpu.memref_slice %arg3[%add3A_277, %dma_start3A_280] : memref<32768x256xf32, #tpu.memory_space<hbm>> -> memref<128x256xf32, #tpu.memory_space<hbm>>
      tpu.enqueue_dma source(%dma_start3A_281 : memref<128x256xf32, #tpu.memory_space<hbm>>) target(%arg12 : memref<128x256xf32, #tpu.memory_space<vmem>>) target_semaphore(%arg14 : memref<!tpu.dma_semaphore, #tpu.memory_space<semaphore_mem>>)
      %mul3A_282 = arith.constant 2 : i32
      %mul3A_283 = arith.muli %mul3A_282, %scan3A_257 : i32
      %mul3A_284 = arith.constant 32 : i32
      %mul3A_285 = arith.muli %mul3A_283, %mul3A_284 : i32
      %scan3A_286 = arith.constant 0 : i32
      %scan3A_287 = arith.constant 32 : i32
      %scan3A_288 = arith.addi %scan3A_286, %scan3A_287 : i32
      %scan3A_289 = arith.constant 1 : i32
      %scan3A_290:2 = scf.for %scan3A_348 = %scan3A_286 to %scan3A_288 step %scan3A_289 iter_args(%scan3A_349 = %scan3A_258, %scan3A_350 = %scan3A_259) -> (i32, i32)  : i32 {
        %add3A_351 = arith.addi %mul3A_285, %scan3A_348 : i32
        %mul3A_352 = arith.constant 16 : i32
        %mul3A_353 = arith.muli %add3A_351, %mul3A_352 : i32
        %multiple_of3A = tpu.assume_multiple %mul3A_353, 16 : i32
        %get3A = arith.index_cast %multiple_of3A : i32 to index
        %get3A_354 = tpu.vector_load %arg9[%get3A] {strides = array<i32>} : memref<4112xi32, #tpu.memory_space<vmem>>, vector<16xi32>,
        %ge3A = arith.constant 0 : i32
        %ge3A_355 = vector.broadcast %ge3A : i32 to vector<16xi32>
        %ge3A_356 = arith.cmpi sge, %get3A_354, %ge3A_355 : vector<16xi32>
        %convert_element_type3A_357 = arith.extui %ge3A_356 : vector<16xi1> to vector<16xi32>
        %broadcast_in_dim3A_358 = arith.constant true
        %broadcast_in_dim3A_359 = vector.broadcast %broadcast_in_dim3A_358 : i1 to vector<16xi1>
        %masked_cumsum3A = tpu.scan <sum>, %convert_element_type3A_357 masked %broadcast_in_dim3A_359 : vector<16xi32>, vector<16xi1> -> vector<16xi32>
        %add3A_360 = vector.broadcast %scan3A_349 : i32 to vector<16xi32>
        %add3A_361 = arith.addi %add3A_360, %masked_cumsum3A : vector<16xi32>
        %sub3A_362 = arith.constant 1 : i32
        %sub3A_363 = vector.broadcast %sub3A_362 : i32 to vector<16xi32>
        %sub3A_364 = arith.subi %add3A_361, %sub3A_363 : vector<16xi32>
        %mul3A_365 = arith.constant 16 : i32
        %mul3A_366 = arith.muli %add3A_351, %mul3A_365 : i32
        %add3A_367 = arith.addi %mul3A_2, %mul3A_366 : i32
        %add3A_368 = vector.broadcast %add3A_367 : i32 to vector<16xi32>
        %add3A_369 = arith.addi %add3A_368, %iota3A : vector<16xi32>
        %shift_right_arithmetic3A_370 = arith.constant 7 : i32
        %shift_right_arithmetic3A_371 = vector.broadcast %shift_right_arithmetic3A_370 : i32 to vector<16xi32>
        %shift_right_arithmetic3A_372 = arith.shrsi %sub3A_364, %shift_right_arithmetic3A_371 : vector<16xi32>
        %and3A_373 = arith.constant 127 : i32
        %and3A_374 = vector.broadcast %and3A_373 : i32 to vector<16xi32>
        %and3A_375 = arith.andi %sub3A_364, %and3A_374 : vector<16xi32>
        tpu.vector_store_idx %arg10[%shift_right_arithmetic3A_372, %and3A_375], %add3A_369 masked %ge3A_356 : memref<128x128xi32, #tpu.memory_space<vmem>>[vector<16xi32>, vector<16xi32>], vector<16xi32>, vector<16xi1>
        %shift_right_arithmetic3A_376 = arith.constant 7 : i32
        %shift_right_arithmetic3A_377 = vector.broadcast %shift_right_arithmetic3A_376 : i32 to vector<16xi32>
        %shift_right_arithmetic3A_378 = arith.shrsi %sub3A_364, %shift_right_arithmetic3A_377 : vector<16xi32>
        %and3A_379 = arith.constant 127 : i32
        %and3A_380 = vector.broadcast %and3A_379 : i32 to vector<16xi32>
        %and3A_381 = arith.andi %sub3A_364, %and3A_380 : vector<16xi32>
        tpu.vector_store_idx %arg11[%shift_right_arithmetic3A_378, %and3A_381], %get3A_354 masked %ge3A_356 : memref<128x128xi32, #tpu.memory_space<vmem>>[vector<16xi32>, vector<16xi32>], vector<16xi32>, vector<16xi1>
        %mul3A_382 = arith.constant 16 : i32
        %mul3A_383 = arith.muli %add3A_351, %mul3A_382 : i32
        %add3A_384 = vector.broadcast %mul3A_383 : i32 to vector<16xi32>
        %add3A_385 = arith.addi %add3A_384, %iota3A : vector<16xi32>
        %shift_left3A = arith.constant 14 : i32
        %shift_left3A_386 = vector.broadcast %shift_left3A : i32 to vector<16xi32>
        %shift_left3A_387 = arith.shli %add3A_385, %shift_left3A_386 : vector<16xi32>
        %or3A = arith.ori %shift_left3A_387, %get3A_354 : vector<16xi32>
        %jit3A = arith.constant -1 : i32
        %broadcast_in_dim3A_388 = vector.broadcast %jit3A : i32 to vector<16xi32>
        %select_n3A = arith.select %ge3A_356, %or3A, %broadcast_in_dim3A_388 : vector<16xi1>, vector<16xi32>
        %reduce_sum3A = arith.constant true
        %reduce_sum3A_389 = vector.broadcast %reduce_sum3A : i1 to vector<16xi1>
        %reduce_sum3A_390 = tpu.scan <sum>, %convert_element_type3A_357 masked %reduce_sum3A_389 : vector<16xi32>, vector<16xi1> -> vector<16xi32>
        %reduce_sum3A_391 = vector.extract %reduce_sum3A_390[15] : i32 from vector<16xi32>
        %add3A_392 = arith.addi %scan3A_349, %reduce_sum3A_391 : i32
        %reduce_max3A = arith.constant true
        %reduce_max3A_393 = vector.broadcast %reduce_max3A : i1 to vector<16xi1>
        %reduce_max3A_394 = arith.constant -2147483648 : i32
        %reduce_max3A_395 = vector.broadcast %reduce_max3A_394 : i32 to vector<16xi32>
        %reduce_max3A_396 = arith.xori %select_n3A, %reduce_max3A_395 : vector<16xi32>
        %reduce_max3A_397 = tpu.scan <max>, %reduce_max3A_396 masked %reduce_max3A_393 : vector<16xi32>, vector<16xi1> -> vector<16xi32>
        %reduce_max3A_398 = arith.xori %reduce_max3A_397, %reduce_max3A_395 : vector<16xi32>
        %reduce_max3A_399 = vector.extract %reduce_max3A_398[15] : i32 from vector<16xi32>
        %max3A = arith.maxsi %scan3A_350, %reduce_max3A_399 : i32
        scf.yield %add3A_392, %max3A : i32, i32
      }
      %scan3A_291 = arith.constant 32 : i32
      %sub3A_292 = arith.constant 2 : i32
      %sub3A_293 = arith.subi %add3A_265, %sub3A_292 : i32
      %mul3A_294 = arith.constant 128 : i32
      %mul3A_295 = arith.muli %sub3A_293, %mul3A_294 : i32
      %add3A_296 = arith.addi %add3A_79, %mul3A_295 : i32
      %dma_wait3A_297 = arith.constant 0 : i32
      %dma_wait3A_298 = tpu.memref_slice %arg7[%add3A_296, %dma_wait3A_297] : memref<172032x256xf32, #tpu.memory_space<hbm>> -> memref<128x256xf32, #tpu.memory_space<hbm>>
      %dma_wait3A_299 = arith.constant 0 : i32
      %dma_wait3A_300 = tpu.memref_slice %arg7[%add3A_296, %dma_wait3A_299] : memref<172032x256xf32, #tpu.memory_space<hbm>> -> memref<128x256xf32, #tpu.memory_space<hbm>>
      tpu.wait_dma2 semaphore(%arg17 : memref<!tpu.dma_semaphore, #tpu.memory_space<semaphore_mem>>) src(%arg13 : memref<128x256xf32, #tpu.memory_space<vmem>>) dst(%dma_wait3A_300 : memref<128x256xf32, #tpu.memory_space<hbm>>)
      %mul3A_301 = arith.constant 128 : i32
      %mul3A_302 = arith.muli %add3A_265, %mul3A_301 : i32
      %add3A_303 = arith.addi %mul3A_75, %mul3A_302 : i32
      %dma_start3A_304 = arith.constant 0 : i32
      %dma_start3A_305 = tpu.memref_slice %arg3[%add3A_303, %dma_start3A_304] : memref<32768x256xf32, #tpu.memory_space<hbm>> -> memref<128x256xf32, #tpu.memory_space<hbm>>
      %dma_start3A_306 = arith.constant 0 : i32
      %dma_start3A_307 = tpu.memref_slice %arg3[%add3A_303, %dma_start3A_306] : memref<32768x256xf32, #tpu.memory_space<hbm>> -> memref<128x256xf32, #tpu.memory_space<hbm>>
      tpu.enqueue_dma source(%dma_start3A_307 : memref<128x256xf32, #tpu.memory_space<hbm>>) target(%arg13 : memref<128x256xf32, #tpu.memory_space<vmem>>) target_semaphore(%arg15 : memref<!tpu.dma_semaphore, #tpu.memory_space<semaphore_mem>>)
      %mul3A_308 = arith.constant 2 : i32
      %mul3A_309 = arith.muli %mul3A_308, %scan3A_257 : i32
      %add3A_310 = arith.constant 1 : i32
      %add3A_311 = arith.addi %mul3A_309, %add3A_310 : i32
      %mul3A_312 = arith.constant 32 : i32
      %mul3A_313 = arith.muli %add3A_311, %mul3A_312 : i32
      %scan3A_314 = arith.constant 0 : i32
      %scan3A_315 = arith.constant 32 : i32
      %scan3A_316 = arith.addi %scan3A_314, %scan3A_315 : i32
      %scan3A_317 = arith.constant 1 : i32
      %scan3A_318:2 = scf.for %scan3A_348 = %scan3A_314 to %scan3A_316 step %scan3A_317 iter_args(%scan3A_349 = %scan3A_290#0, %scan3A_350 = %scan3A_290#1) -> (i32, i32)  : i32 {
        %add3A_351 = arith.addi %mul3A_313, %scan3A_348 : i32
        %mul3A_352 = arith.constant 16 : i32
        %mul3A_353 = arith.muli %add3A_351, %mul3A_352 : i32
        %multiple_of3A = tpu.assume_multiple %mul3A_353, 16 : i32
        %get3A = arith.index_cast %multiple_of3A : i32 to index
        %get3A_354 = tpu.vector_load %arg9[%get3A] {strides = array<i32>} : memref<4112xi32, #tpu.memory_space<vmem>>, vector<16xi32>,
        %ge3A = arith.constant 0 : i32
        %ge3A_355 = vector.broadcast %ge3A : i32 to vector<16xi32>
        %ge3A_356 = arith.cmpi sge, %get3A_354, %ge3A_355 : vector<16xi32>
        %convert_element_type3A_357 = arith.extui %ge3A_356 : vector<16xi1> to vector<16xi32>
        %broadcast_in_dim3A_358 = arith.constant true
        %broadcast_in_dim3A_359 = vector.broadcast %broadcast_in_dim3A_358 : i1 to vector<16xi1>
        %masked_cumsum3A = tpu.scan <sum>, %convert_element_type3A_357 masked %broadcast_in_dim3A_359 : vector<16xi32>, vector<16xi1> -> vector<16xi32>
        %add3A_360 = vector.broadcast %scan3A_349 : i32 to vector<16xi32>
        %add3A_361 = arith.addi %add3A_360, %masked_cumsum3A : vector<16xi32>
        %sub3A_362 = arith.constant 1 : i32
        %sub3A_363 = vector.broadcast %sub3A_362 : i32 to vector<16xi32>
        %sub3A_364 = arith.subi %add3A_361, %sub3A_363 : vector<16xi32>
        %mul3A_365 = arith.constant 16 : i32
        %mul3A_366 = arith.muli %add3A_351, %mul3A_365 : i32
        %add3A_367 = arith.addi %mul3A_2, %mul3A_366 : i32
        %add3A_368 = vector.broadcast %add3A_367 : i32 to vector<16xi32>
        %add3A_369 = arith.addi %add3A_368, %iota3A : vector<16xi32>
        %shift_right_arithmetic3A_370 = arith.constant 7 : i32
        %shift_right_arithmetic3A_371 = vector.broadcast %shift_right_arithmetic3A_370 : i32 to vector<16xi32>
        %shift_right_arithmetic3A_372 = arith.shrsi %sub3A_364, %shift_right_arithmetic3A_371 : vector<16xi32>
        %and3A_373 = arith.constant 127 : i32
        %and3A_374 = vector.broadcast %and3A_373 : i32 to vector<16xi32>
        %and3A_375 = arith.andi %sub3A_364, %and3A_374 : vector<16xi32>
        tpu.vector_store_idx %arg10[%shift_right_arithmetic3A_372, %and3A_375], %add3A_369 masked %ge3A_356 : memref<128x128xi32, #tpu.memory_space<vmem>>[vector<16xi32>, vector<16xi32>], vector<16xi32>, vector<16xi1>
        %shift_right_arithmetic3A_376 = arith.constant 7 : i32
        %shift_right_arithmetic3A_377 = vector.broadcast %shift_right_arithmetic3A_376 : i32 to vector<16xi32>
        %shift_right_arithmetic3A_378 = arith.shrsi %sub3A_364, %shift_right_arithmetic3A_377 : vector<16xi32>
        %and3A_379 = arith.constant 127 : i32
        %and3A_380 = vector.broadcast %and3A_379 : i32 to vector<16xi32>
        %and3A_381 = arith.andi %sub3A_364, %and3A_380 : vector<16xi32>
        tpu.vector_store_idx %arg11[%shift_right_arithmetic3A_378, %and3A_381], %get3A_354 masked %ge3A_356 : memref<128x128xi32, #tpu.memory_space<vmem>>[vector<16xi32>, vector<16xi32>], vector<16xi32>, vector<16xi1>
        %mul3A_382 = arith.constant 16 : i32
        %mul3A_383 = arith.muli %add3A_351, %mul3A_382 : i32
        %add3A_384 = vector.broadcast %mul3A_383 : i32 to vector<16xi32>
        %add3A_385 = arith.addi %add3A_384, %iota3A : vector<16xi32>
        %shift_left3A = arith.constant 14 : i32
        %shift_left3A_386 = vector.broadcast %shift_left3A : i32 to vector<16xi32>
        %shift_left3A_387 = arith.shli %add3A_385, %shift_left3A_386 : vector<16xi32>
        %or3A = arith.ori %shift_left3A_387, %get3A_354 : vector<16xi32>
        %jit3A = arith.constant -1 : i32
        %broadcast_in_dim3A_388 = vector.broadcast %jit3A : i32 to vector<16xi32>
        %select_n3A = arith.select %ge3A_356, %or3A, %broadcast_in_dim3A_388 : vector<16xi1>, vector<16xi32>
        %reduce_sum3A = arith.constant true
        %reduce_sum3A_389 = vector.broadcast %reduce_sum3A : i1 to vector<16xi1>
        %reduce_sum3A_390 = tpu.scan <sum>, %convert_element_type3A_357 masked %reduce_sum3A_389 : vector<16xi32>, vector<16xi1> -> vector<16xi32>
        %reduce_sum3A_391 = vector.extract %reduce_sum3A_390[15] : i32 from vector<16xi32>
        %add3A_392 = arith.addi %scan3A_349, %reduce_sum3A_391 : i32
        %reduce_max3A = arith.constant true
        %reduce_max3A_393 = vector.broadcast %reduce_max3A : i1 to vector<16xi1>
        %reduce_max3A_394 = arith.constant -2147483648 : i32
        %reduce_max3A_395 = vector.broadcast %reduce_max3A_394 : i32 to vector<16xi32>
        %reduce_max3A_396 = arith.xori %select_n3A, %reduce_max3A_395 : vector<16xi32>
        %reduce_max3A_397 = tpu.scan <max>, %reduce_max3A_396 masked %reduce_max3A_393 : vector<16xi32>, vector<16xi1> -> vector<16xi32>
        %reduce_max3A_398 = arith.xori %reduce_max3A_397, %reduce_max3A_395 : vector<16xi32>
        %reduce_max3A_399 = vector.extract %reduce_max3A_398[15] : i32 from vector<16xi32>
        %max3A = arith.maxsi %scan3A_350, %reduce_max3A_399 : i32
        scf.yield %add3A_392, %max3A : i32, i32
      }
      %scan3A_319 = arith.constant 32 : i32
      %mul3A_320 = arith.constant 128 : i32
      %mul3A_321 = arith.muli %mul3A_261, %mul3A_320 : i32
      %add3A_322 = arith.addi %mul3A_75, %mul3A_321 : i32
      %dma_wait3A_323 = arith.constant 0 : i32
      %dma_wait3A_324 = tpu.memref_slice %arg3[%add3A_322, %dma_wait3A_323] : memref<32768x256xf32, #tpu.memory_space<hbm>> -> memref<128x256xf32, #tpu.memory_space<hbm>>
      %dma_wait3A_325 = arith.constant 0 : i32
      %dma_wait3A_326 = tpu.memref_slice %arg3[%add3A_322, %dma_wait3A_325] : memref<32768x256xf32, #tpu.memory_space<hbm>> -> memref<128x256xf32, #tpu.memory_space<hbm>>
      tpu.wait_dma2 semaphore(%arg14 : memref<!tpu.dma_semaphore, #tpu.memory_space<semaphore_mem>>) src(%dma_wait3A_326 : memref<128x256xf32, #tpu.memory_space<hbm>>) dst(%arg12 : memref<128x256xf32, #tpu.memory_space<vmem>>)
      %mul3A_327 = arith.constant 128 : i32
      %mul3A_328 = arith.muli %mul3A_261, %mul3A_327 : i32
      %add3A_329 = arith.addi %add3A_79, %mul3A_328 : i32
      %dma_start3A_330 = arith.constant 0 : i32
      %dma_start3A_331 = tpu.memref_slice %arg7[%add3A_329, %dma_start3A_330] : memref<172032x256xf32, #tpu.memory_space<hbm>> -> memref<128x256xf32, #tpu.memory_space<hbm>>
      %dma_start3A_332 = arith.constant 0 : i32
      %dma_start3A_333 = tpu.memref_slice %arg7[%add3A_329, %dma_start3A_332] : memref<172032x256xf32, #tpu.memory_space<hbm>> -> memref<128x256xf32, #tpu.memory_space<hbm>>
      tpu.enqueue_dma source(%arg12 : memref<128x256xf32, #tpu.memory_space<vmem>>) target(%dma_start3A_333 : memref<128x256xf32, #tpu.memory_space<hbm>>) target_semaphore(%arg16 : memref<!tpu.dma_semaphore, #tpu.memory_space<semaphore_mem>>)
      %mul3A_334 = arith.constant 128 : i32
      %mul3A_335 = arith.muli %add3A_265, %mul3A_334 : i32
      %add3A_336 = arith.addi %mul3A_75, %mul3A_335 : i32
      %dma_wait3A_337 = arith.constant 0 : i32
      %dma_wait3A_338 = tpu.memref_slice %arg3[%add3A_336, %dma_wait3A_337] : memref<32768x256xf32, #tpu.memory_space<hbm>> -> memref<128x256xf32, #tpu.memory_space<hbm>>
      %dma_wait3A_339 = arith.constant 0 : i32
      %dma_wait3A_340 = tpu.memref_slice %arg3[%add3A_336, %dma_wait3A_339] : memref<32768x256xf32, #tpu.memory_space<hbm>> -> memref<128x256xf32, #tpu.memory_space<hbm>>
      tpu.wait_dma2 semaphore(%arg15 : memref<!tpu.dma_semaphore, #tpu.memory_space<semaphore_mem>>) src(%dma_wait3A_340 : memref<128x256xf32, #tpu.memory_space<hbm>>) dst(%arg13 : memref<128x256xf32, #tpu.memory_space<vmem>>)
      %mul3A_341 = arith.constant 128 : i32
      %mul3A_342 = arith.muli %add3A_265, %mul3A_341 : i32
      %add3A_343 = arith.addi %add3A_79, %mul3A_342 : i32
      %dma_start3A_344 = arith.constant 0 : i32
      %dma_start3A_345 = tpu.memref_slice %arg7[%add3A_343, %dma_start3A_344] : memref<172032x256xf32, #tpu.memory_space<hbm>> -> memref<128x256xf32, #tpu.memory_space<hbm>>
      %dma_start3A_346 = arith.constant 0 : i32
      %dma_start3A_347 = tpu.memref_slice %arg7[%add3A_343, %dma_start3A_346] : memref<172032x256xf32, #tpu.memory_space<hbm>> -> memref<128x256xf32, #tpu.memory_space<hbm>>
      tpu.enqueue_dma source(%arg13 : memref<128x256xf32, #tpu.memory_space<vmem>>) target(%dma_start3A_347 : memref<128x256xf32, #tpu.memory_space<hbm>>) target_semaphore(%arg17 : memref<!tpu.dma_semaphore, #tpu.memory_space<semaphore_mem>>)
      scf.yield %scan3A_318#0, %scan3A_318#1 : i32, i32
    }
    %scan3A_135 = arith.constant 3 : i32
    %add3A_136 = arith.constant 768 : i32
    %add3A_137 = arith.addi %add3A_79, %add3A_136 : i32
    %dma_wait3A_138 = arith.constant 0 : i32
    %dma_wait3A_139 = tpu.memref_slice %arg7[%add3A_137, %dma_wait3A_138] : memref<172032x256xf32, #tpu.memory_space<hbm>> -> memref<128x256xf32, #tpu.memory_space<hbm>>
    %dma_wait3A_140 = arith.constant 0 : i32
    %dma_wait3A_141 = tpu.memref_slice %arg7[%add3A_137, %dma_wait3A_140] : memref<172032x256xf32, #tpu.memory_space<hbm>> -> memref<128x256xf32, #tpu.memory_space<hbm>>
    tpu.wait_dma2 semaphore(%arg16 : memref<!tpu.dma_semaphore, #tpu.memory_space<semaphore_mem>>) src(%arg12 : memref<128x256xf32, #tpu.memory_space<vmem>>) dst(%dma_wait3A_141 : memref<128x256xf32, #tpu.memory_space<hbm>>)
    %add3A_142 = arith.constant 896 : i32
    %add3A_143 = arith.addi %add3A_79, %add3A_142 : i32
    %dma_wait3A_144 = arith.constant 0 : i32
    %dma_wait3A_145 = tpu.memref_slice %arg7[%add3A_143, %dma_wait3A_144] : memref<172032x256xf32, #tpu.memory_space<hbm>> -> memref<128x256xf32, #tpu.memory_space<hbm>>
    %dma_wait3A_146 = arith.constant 0 : i32
    %dma_wait3A_147 = tpu.memref_slice %arg7[%add3A_143, %dma_wait3A_146] : memref<172032x256xf32, #tpu.memory_space<hbm>> -> memref<128x256xf32, #tpu.memory_space<hbm>>
    tpu.wait_dma2 semaphore(%arg17 : memref<!tpu.dma_semaphore, #tpu.memory_space<semaphore_mem>>) src(%arg13 : memref<128x256xf32, #tpu.memory_space<vmem>>) dst(%dma_wait3A_147 : memref<128x256xf32, #tpu.memory_space<hbm>>)
    %mul3A_148 = arith.constant 256 : i32
    %mul3A_149 = arith.muli %add3A, %mul3A_148 : i32
    %mul3A_150 = arith.constant 256 : i32
    %mul3A_151 = arith.muli %add3A, %mul3A_150 : i32
    %add3A_152 = arith.constant 163840 : i32
    %add3A_153 = arith.addi %add3A_152, %mul3A_151 : i32
    %add3A_154 = arith.constant 0 : i32
    %add3A_155 = arith.addi %mul3A_149, %add3A_154 : i32
    %dma_start3A_156 = arith.constant 0 : i32
    %dma_start3A_157 = tpu.memref_slice %arg4[%add3A_155, %dma_start3A_156] : memref<8192x256xf32, #tpu.memory_space<hbm>> -> memref<128x256xf32, #tpu.memory_space<hbm>>
    %dma_start3A_158 = arith.constant 0 : i32
    %dma_start3A_159 = tpu.memref_slice %arg4[%add3A_155, %dma_start3A_158] : memref<8192x256xf32, #tpu.memory_space<hbm>> -> memref<128x256xf32, #tpu.memory_space<hbm>>
    tpu.enqueue_dma source(%dma_start3A_159 : memref<128x256xf32, #tpu.memory_space<hbm>>) target(%arg12 : memref<128x256xf32, #tpu.memory_space<vmem>>) target_semaphore(%arg14 : memref<!tpu.dma_semaphore, #tpu.memory_space<semaphore_mem>>)
    %add3A_160 = arith.constant 128 : i32
    %add3A_161 = arith.addi %mul3A_149, %add3A_160 : i32
    %dma_start3A_162 = arith.constant 0 : i32
    %dma_start3A_163 = tpu.memref_slice %arg4[%add3A_161, %dma_start3A_162] : memref<8192x256xf32, #tpu.memory_space<hbm>> -> memref<128x256xf32, #tpu.memory_space<hbm>>
    %dma_start3A_164 = arith.constant 0 : i32
    %dma_start3A_165 = tpu.memref_slice %arg4[%add3A_161, %dma_start3A_164] : memref<8192x256xf32, #tpu.memory_space<hbm>> -> memref<128x256xf32, #tpu.memory_space<hbm>>
    tpu.enqueue_dma source(%dma_start3A_165 : memref<128x256xf32, #tpu.memory_space<hbm>>) target(%arg13 : memref<128x256xf32, #tpu.memory_space<vmem>>) target_semaphore(%arg15 : memref<!tpu.dma_semaphore, #tpu.memory_space<semaphore_mem>>)
    %add3A_166 = arith.constant 0 : i32
    %add3A_167 = arith.addi %mul3A_149, %add3A_166 : i32
    %dma_wait3A_168 = arith.constant 0 : i32
    %dma_wait3A_169 = tpu.memref_slice %arg4[%add3A_167, %dma_wait3A_168] : memref<8192x256xf32, #tpu.memory_space<hbm>> -> memref<128x256xf32, #tpu.memory_space<hbm>>
    %dma_wait3A_170 = arith.constant 0 : i32
    %dma_wait3A_171 = tpu.memref_slice %arg4[%add3A_167, %dma_wait3A_170] : memref<8192x256xf32, #tpu.memory_space<hbm>> -> memref<128x256xf32, #tpu.memory_space<hbm>>
    tpu.wait_dma2 semaphore(%arg14 : memref<!tpu.dma_semaphore, #tpu.memory_space<semaphore_mem>>) src(%dma_wait3A_171 : memref<128x256xf32, #tpu.memory_space<hbm>>) dst(%arg12 : memref<128x256xf32, #tpu.memory_space<vmem>>)
    %add3A_172 = arith.constant 0 : i32
    %add3A_173 = arith.addi %add3A_153, %add3A_172 : i32
    %dma_start3A_174 = arith.constant 0 : i32
    %dma_start3A_175 = tpu.memref_slice %arg7[%add3A_173, %dma_start3A_174] : memref<172032x256xf32, #tpu.memory_space<hbm>> -> memref<128x256xf32, #tpu.memory_space<hbm>>
    %dma_start3A_176 = arith.constant 0 : i32
    %dma_start3A_177 = tpu.memref_slice %arg7[%add3A_173, %dma_start3A_176] : memref<172032x256xf32, #tpu.memory_space<hbm>> -> memref<128x256xf32, #tpu.memory_space<hbm>>
    tpu.enqueue_dma source(%arg12 : memref<128x256xf32, #tpu.memory_space<vmem>>) target(%dma_start3A_177 : memref<128x256xf32, #tpu.memory_space<hbm>>) target_semaphore(%arg16 : memref<!tpu.dma_semaphore, #tpu.memory_space<semaphore_mem>>)
    %add3A_178 = arith.constant 128 : i32
    %add3A_179 = arith.addi %mul3A_149, %add3A_178 : i32
    %dma_wait3A_180 = arith.constant 0 : i32
    %dma_wait3A_181 = tpu.memref_slice %arg4[%add3A_179, %dma_wait3A_180] : memref<8192x256xf32, #tpu.memory_space<hbm>> -> memref<128x256xf32, #tpu.memory_space<hbm>>
    %dma_wait3A_182 = arith.constant 0 : i32
    %dma_wait3A_183 = tpu.memref_slice %arg4[%add3A_179, %dma_wait3A_182] : memref<8192x256xf32, #tpu.memory_space<hbm>> -> memref<128x256xf32, #tpu.memory_space<hbm>>
    tpu.wait_dma2 semaphore(%arg15 : memref<!tpu.dma_semaphore, #tpu.memory_space<semaphore_mem>>) src(%dma_wait3A_183 : memref<128x256xf32, #tpu.memory_space<hbm>>) dst(%arg13 : memref<128x256xf32, #tpu.memory_space<vmem>>)
    %add3A_184 = arith.constant 128 : i32
    %add3A_185 = arith.addi %add3A_153, %add3A_184 : i32
    %dma_start3A_186 = arith.constant 0 : i32
    %dma_start3A_187 = tpu.memref_slice %arg7[%add3A_185, %dma_start3A_186] : memref<172032x256xf32, #tpu.memory_space<hbm>> -> memref<128x256xf32, #tpu.memory_space<hbm>>
    %dma_start3A_188 = arith.constant 0 : i32
    %dma_start3A_189 = tpu.memref_slice %arg7[%add3A_185, %dma_start3A_188] : memref<172032x256xf32, #tpu.memory_space<hbm>> -> memref<128x256xf32, #tpu.memory_space<hbm>>
    tpu.enqueue_dma source(%arg13 : memref<128x256xf32, #tpu.memory_space<vmem>>) target(%dma_start3A_189 : memref<128x256xf32, #tpu.memory_space<hbm>>) target_semaphore(%arg17 : memref<!tpu.dma_semaphore, #tpu.memory_space<semaphore_mem>>)
    %scan3A_190 = arith.constant 0 : i32
    %scan3A_191 = arith.constant 1 : i32
    %scan3A_192 = arith.constant 0 : i32
    %scan3A_193 = arith.addi %scan3A_191, %scan3A_192 : i32
    %scan3A_194 = arith.constant 0 : i32
    %add3A_195 = arith.constant 0 : i32
    %add3A_196 = arith.addi %add3A_153, %add3A_195 : i32
    %dma_wait3A_197 = arith.constant 0 : i32
    %dma_wait3A_198 = tpu.memref_slice %arg7[%add3A_196, %dma_wait3A_197] : memref<172032x256xf32, #tpu.memory_space<hbm>> -> memref<128x256xf32, #tpu.memory_space<hbm>>
    %dma_wait3A_199 = arith.constant 0 : i32
    %dma_wait3A_200 = tpu.memref_slice %arg7[%add3A_196, %dma_wait3A_199] : memref<172032x256xf32, #tpu.memory_space<hbm>> -> memref<128x256xf32, #tpu.memory_space<hbm>>
    tpu.wait_dma2 semaphore(%arg16 : memref<!tpu.dma_semaphore, #tpu.memory_space<semaphore_mem>>) src(%arg12 : memref<128x256xf32, #tpu.memory_space<vmem>>) dst(%dma_wait3A_200 : memref<128x256xf32, #tpu.memory_space<hbm>>)
    %add3A_201 = arith.constant 128 : i32
    %add3A_202 = arith.addi %add3A_153, %add3A_201 : i32
    %dma_wait3A_203 = arith.constant 0 : i32
    %dma_wait3A_204 = tpu.memref_slice %arg7[%add3A_202, %dma_wait3A_203] : memref<172032x256xf32, #tpu.memory_space<hbm>> -> memref<128x256xf32, #tpu.memory_space<hbm>>
    %dma_wait3A_205 = arith.constant 0 : i32
    %dma_wait3A_206 = tpu.memref_slice %arg7[%add3A_202, %dma_wait3A_205] : memref<172032x256xf32, #tpu.memory_space<hbm>> -> memref<128x256xf32, #tpu.memory_space<hbm>>
    tpu.wait_dma2 semaphore(%arg17 : memref<!tpu.dma_semaphore, #tpu.memory_space<semaphore_mem>>) src(%arg13 : memref<128x256xf32, #tpu.memory_space<vmem>>) dst(%dma_wait3A_206 : memref<128x256xf32, #tpu.memory_space<hbm>>)
    %add3A_207 = arith.constant 256 : i32
    %add3A_208 = arith.addi %scan3A_134#0, %add3A_207 : i32
    %sub3A = arith.constant 1 : i32
    %sub3A_209 = arith.subi %add3A_208, %sub3A : i32
    %shift_right_arithmetic3A = arith.constant 8 : i32
    %shift_right_arithmetic3A_210 = arith.shrsi %sub3A_209, %shift_right_arithmetic3A : i32
    %mul3A_211 = arith.constant 2 : i32
    %mul3A_212 = arith.muli %shift_right_arithmetic3A_210, %mul3A_211 : i32
    %mul3A_213 = arith.constant 128 : i32
    %mul3A_214 = arith.muli %mul3A_212, %mul3A_213 : i32
    %broadcast_in_dim3A_215 = vector.broadcast %mul3A_2 : i32 to vector<16xi32>
    %shift_right_arithmetic3A_216 = arith.constant 14 : i32
    %shift_right_arithmetic3A_217 = arith.shrsi %scan3A_134#1, %shift_right_arithmetic3A_216 : i32
    %add3A_218 = vector.broadcast %shift_right_arithmetic3A_217 : i32 to vector<16xi32>
    %add3A_219 = arith.addi %broadcast_in_dim3A_215, %add3A_218 : vector<16xi32>
    %broadcast_in_dim3A_220 = arith.constant 0 : i32
    %broadcast_in_dim3A_221 = vector.broadcast %broadcast_in_dim3A_220 : i32 to vector<16xi32>
    %and3A = arith.constant 16383 : i32
    %and3A_222 = arith.andi %scan3A_134#1, %and3A : i32
    %add3A_223 = vector.broadcast %and3A_222 : i32 to vector<16xi32>
    %add3A_224 = arith.addi %broadcast_in_dim3A_221, %add3A_223 : vector<16xi32>
    %shift_right_arithmetic3A_225 = arith.constant 4 : i32
    %shift_right_arithmetic3A_226 = arith.shrsi %scan3A_134#0, %shift_right_arithmetic3A_225 : i32
    %add3A_227 = arith.constant 16 : i32
    %add3A_228 = arith.addi %mul3A_214, %add3A_227 : i32
    %sub3A_229 = arith.constant 1 : i32
    %sub3A_230 = arith.subi %add3A_228, %sub3A_229 : i32
    %shift_right_arithmetic3A_231 = arith.constant 4 : i32
    %shift_right_arithmetic3A_232 = arith.shrsi %sub3A_230, %shift_right_arithmetic3A_231 : i32
    %while3A = arith.constant 0 : i32
    %while3A_233 = arith.subi %shift_right_arithmetic3A_232, %shift_right_arithmetic3A_226 : i32
    %while3A_234 = arith.addi %shift_right_arithmetic3A_226, %while3A_233 : i32
    %while3A_235 = arith.constant 1 : i32
    %while3A_236 = arith.divsi %while3A_233, %while3A_235 : i32
    %while3A_237 = arith.muli %while3A_236, %while3A_235 : i32
    %while3A_238 = arith.addi %shift_right_arithmetic3A_226, %while3A_237 : i32
    %while3A_239 = arith.constant 1 : i32
    %while3A_240 = scf.for %while3A_257 = %shift_right_arithmetic3A_226 to %while3A_238 step %while3A_239 iter_args(%while3A_258 = %while3A) -> (i32)  : i32 {
      %mul3A_259 = arith.constant 16 : i32
      %mul3A_260 = arith.muli %while3A_257, %mul3A_259 : i32
      %add3A_261 = vector.broadcast %mul3A_260 : i32 to vector<16xi32>
      %add3A_262 = arith.addi %add3A_261, %iota3A : vector<16xi32>
      %ge3A = vector.broadcast %scan3A_134#0 : i32 to vector<16xi32>
      %ge3A_263 = arith.cmpi sge, %add3A_262, %ge3A : vector<16xi32>
      %lt3A = vector.broadcast %mul3A_214 : i32 to vector<16xi32>
      %lt3A_264 = arith.cmpi slt, %add3A_262, %lt3A : vector<16xi32>
      %and3A_265 = arith.andi %ge3A_263, %lt3A_264 : vector<16xi1>
      %shift_right_arithmetic3A_266 = arith.constant 7 : i32
      %shift_right_arithmetic3A_267 = vector.broadcast %shift_right_arithmetic3A_266 : i32 to vector<16xi32>
      %shift_right_arithmetic3A_268 = arith.shrsi %add3A_262, %shift_right_arithmetic3A_267 : vector<16xi32>
      %and3A_269 = arith.constant 127 : i32
      %and3A_270 = vector.broadcast %and3A_269 : i32 to vector<16xi32>
      %and3A_271 = arith.andi %add3A_262, %and3A_270 : vector<16xi32>
      tpu.vector_store_idx %arg10[%shift_right_arithmetic3A_268, %and3A_271], %add3A_219 masked %and3A_265 : memref<128x128xi32, #tpu.memory_space<vmem>>[vector<16xi32>, vector<16xi32>], vector<16xi32>, vector<16xi1>
      %shift_right_arithmetic3A_272 = arith.constant 7 : i32
      %shift_right_arithmetic3A_273 = vector.broadcast %shift_right_arithmetic3A_272 : i32 to vector<16xi32>
      %shift_right_arithmetic3A_274 = arith.shrsi %add3A_262, %shift_right_arithmetic3A_273 : vector<16xi32>
      %and3A_275 = arith.constant 127 : i32
      %and3A_276 = vector.broadcast %and3A_275 : i32 to vector<16xi32>
      %and3A_277 = arith.andi %add3A_262, %and3A_276 : vector<16xi32>
      tpu.vector_store_idx %arg11[%shift_right_arithmetic3A_274, %and3A_277], %add3A_224 masked %and3A_265 : memref<128x128xi32, #tpu.memory_space<vmem>>[vector<16xi32>, vector<16xi32>], vector<16xi32>, vector<16xi1>
      %while3A_278 = arith.constant 0 : i32
      scf.yield %while3A_278 : i32
    }
    %while3A_241 = arith.constant 1 : i32
    %while3A_242 = scf.for %while3A_257 = %while3A_238 to %while3A_234 step %while3A_241 iter_args(%while3A_258 = %while3A_240) -> (i32)  : i32 {
      %mul3A_259 = arith.constant 16 : i32
      %mul3A_260 = arith.muli %while3A_257, %mul3A_259 : i32
      %add3A_261 = vector.broadcast %mul3A_260 : i32 to vector<16xi32>
      %add3A_262 = arith.addi %add3A_261, %iota3A : vector<16xi32>
      %ge3A = vector.broadcast %scan3A_134#0 : i32 to vector<16xi32>
      %ge3A_263 = arith.cmpi sge, %add3A_262, %ge3A : vector<16xi32>
      %lt3A = vector.broadcast %mul3A_214 : i32 to vector<16xi32>
      %lt3A_264 = arith.cmpi slt, %add3A_262, %lt3A : vector<16xi32>
      %and3A_265 = arith.andi %ge3A_263, %lt3A_264 : vector<16xi1>
      %shift_right_arithmetic3A_266 = arith.constant 7 : i32
      %shift_right_arithmetic3A_267 = vector.broadcast %shift_right_arithmetic3A_266 : i32 to vector<16xi32>
      %shift_right_arithmetic3A_268 = arith.shrsi %add3A_262, %shift_right_arithmetic3A_267 : vector<16xi32>
      %and3A_269 = arith.constant 127 : i32
      %and3A_270 = vector.broadcast %and3A_269 : i32 to vector<16xi32>
      %and3A_271 = arith.andi %add3A_262, %and3A_270 : vector<16xi32>
      tpu.vector_store_idx %arg10[%shift_right_arithmetic3A_268, %and3A_271], %add3A_219 masked %and3A_265 : memref<128x128xi32, #tpu.memory_space<vmem>>[vector<16xi32>, vector<16xi32>], vector<16xi32>, vector<16xi1>
      %shift_right_arithmetic3A_272 = arith.constant 7 : i32
      %shift_right_arithmetic3A_273 = vector.broadcast %shift_right_arithmetic3A_272 : i32 to vector<16xi32>
      %shift_right_arithmetic3A_274 = arith.shrsi %add3A_262, %shift_right_arithmetic3A_273 : vector<16xi32>
      %and3A_275 = arith.constant 127 : i32
      %and3A_276 = vector.broadcast %and3A_275 : i32 to vector<16xi32>
      %and3A_277 = arith.andi %add3A_262, %and3A_276 : vector<16xi32>
      tpu.vector_store_idx %arg11[%shift_right_arithmetic3A_274, %and3A_277], %add3A_224 masked %and3A_265 : memref<128x128xi32, #tpu.memory_space<vmem>>[vector<16xi32>, vector<16xi32>], vector<16xi32>, vector<16xi1>
      %while3A_278 = arith.constant 0 : i32
      scf.yield %while3A_278 : i32
    }
    %while3A_243 = arith.constant 0 : i32
    %while3A_244 = arith.constant 0 : i32
    %while3A_245 = arith.subi %shift_right_arithmetic3A_210, %while3A_243 : i32
    %while3A_246 = arith.addi %while3A_243, %while3A_245 : i32
    %while3A_247 = arith.constant 1 : i32
    %while3A_248 = arith.divsi %while3A_245, %while3A_247 : i32
    %while3A_249 = arith.muli %while3A_248, %while3A_247 : i32
    %while3A_250 = arith.addi %while3A_243, %while3A_249 : i32
    %while3A_251 = arith.constant 1 : i32
    %while3A_252 = scf.for %while3A_257 = %while3A_243 to %while3A_250 step %while3A_251 iter_args(%while3A_258 = %while3A_244) -> (i32)  : i32 {
      %gt3A_259 = arith.constant 0 : i32
      %gt3A_260 = arith.cmpi sgt, %while3A_257, %gt3A_259 : i32
      %convert_element_type3A_261 = arith.extui %gt3A_260 : i1 to i32
      %cond3A_262 = arith.constant 0 : i32
      %cond3A_263 = arith.cmpi ne, %convert_element_type3A_261, %cond3A_262 : i32
      scf.if %cond3A_263 {
        %mul3A_318 = arith.constant 2 : i32
        %mul3A_319 = arith.muli %mul3A_318, %while3A_257 : i32
        %sub3A_320 = arith.constant 2 : i32
        %sub3A_321 = arith.subi %mul3A_319, %sub3A_320 : i32
        %dma_wait3A_322 = arith.constant 0 : i32
        %dma_wait3A_323 = tpu.memref_slice %arg10[%sub3A_321, %dma_wait3A_322] : memref<128x128xi32, #tpu.memory_space<vmem>> -> memref<1x128xi32, #tpu.memory_space<vmem>>
        %dma_wait3A_324 = tpu.memref_squeeze %dma_wait3A_323 : memref<1x128xi32, #tpu.memory_space<vmem>> -> memref<128xi32, #tpu.memory_space<vmem>>
        %dma_wait3A_325 = arith.constant 0 : i32
        %dma_wait3A_326 = arith.constant 0 : i32
        %dma_wait3A_327 = tpu.memref_slice %arg7[%dma_wait3A_325, %dma_wait3A_326] : memref<172032x256xf32, #tpu.memory_space<hbm>> -> memref<172032x256xf32, #tpu.memory_space<hbm>>
        tpu.wait_indirect_dma semaphore(%arg16 : memref<!tpu.dma_semaphore, #tpu.memory_space<semaphore_mem>>) src(%arg12 : memref<128x256xf32, #tpu.memory_space<vmem>>) dst(%dma_wait3A_327 : memref<172032x256xf32, #tpu.memory_space<hbm>>)
      } else {
      }
      %mul3A_264 = arith.constant 2 : i32
      %mul3A_265 = arith.muli %mul3A_264, %while3A_257 : i32
      %dma_start3A_266 = arith.constant 0 : i32
      %dma_start3A_267 = tpu.memref_slice %arg11[%mul3A_265, %dma_start3A_266] : memref<128x128xi32, #tpu.memory_space<vmem>> -> memref<1x128xi32, #tpu.memory_space<vmem>>
      %dma_start3A_268 = tpu.memref_squeeze %dma_start3A_267 : memref<1x128xi32, #tpu.memory_space<vmem>> -> memref<128xi32, #tpu.memory_space<vmem>>
      %dma_start3A_269 = arith.constant 0 : i32
      %dma_start3A_270 = arith.constant 0 : i32
      %dma_start3A_271 = tpu.memref_slice %arg5[%dma_start3A_269, %dma_start3A_270] : memref<16384x256xf32, #tpu.memory_space<hbm>> -> memref<16384x256xf32, #tpu.memory_space<hbm>>
      tpu.enqueue_indirect_dma source(%dma_start3A_271 : memref<16384x256xf32, #tpu.memory_space<hbm>>) target(%arg12 : memref<128x256xf32, #tpu.memory_space<vmem>>) offsets(%dma_start3A_268 : memref<128xi32, #tpu.memory_space<vmem>>) semaphore(%arg14 : memref<!tpu.dma_semaphore, #tpu.memory_space<semaphore_mem>>)
      %gt3A_272 = arith.constant 0 : i32
      %gt3A_273 = arith.cmpi sgt, %while3A_257, %gt3A_272 : i32
      %convert_element_type3A_274 = arith.extui %gt3A_273 : i1 to i32
      %cond3A_275 = arith.constant 0 : i32
      %cond3A_276 = arith.cmpi ne, %convert_element_type3A_274, %cond3A_275 : i32
      scf.if %cond3A_276 {
        %mul3A_318 = arith.constant 2 : i32
        %mul3A_319 = arith.muli %mul3A_318, %while3A_257 : i32
        %sub3A_320 = arith.constant 1 : i32
        %sub3A_321 = arith.subi %mul3A_319, %sub3A_320 : i32
        %dma_wait3A_322 = arith.constant 0 : i32
        %dma_wait3A_323 = tpu.memref_slice %arg10[%sub3A_321, %dma_wait3A_322] : memref<128x128xi32, #tpu.memory_space<vmem>> -> memref<1x128xi32, #tpu.memory_space<vmem>>
        %dma_wait3A_324 = tpu.memref_squeeze %dma_wait3A_323 : memref<1x128xi32, #tpu.memory_space<vmem>> -> memref<128xi32, #tpu.memory_space<vmem>>
        %dma_wait3A_325 = arith.constant 0 : i32
        %dma_wait3A_326 = arith.constant 0 : i32
        %dma_wait3A_327 = tpu.memref_slice %arg7[%dma_wait3A_325, %dma_wait3A_326] : memref<172032x256xf32, #tpu.memory_space<hbm>> -> memref<172032x256xf32, #tpu.memory_space<hbm>>
        tpu.wait_indirect_dma semaphore(%arg17 : memref<!tpu.dma_semaphore, #tpu.memory_space<semaphore_mem>>) src(%arg13 : memref<128x256xf32, #tpu.memory_space<vmem>>) dst(%dma_wait3A_327 : memref<172032x256xf32, #tpu.memory_space<hbm>>)
      } else {
      }
      %mul3A_277 = arith.constant 2 : i32
      %mul3A_278 = arith.muli %mul3A_277, %while3A_257 : i32
      %add3A_279 = arith.constant 1 : i32
      %add3A_280 = arith.addi %mul3A_278, %add3A_279 : i32
      %dma_start3A_281 = arith.constant 0 : i32
      %dma_start3A_282 = tpu.memref_slice %arg11[%add3A_280, %dma_start3A_281] : memref<128x128xi32, #tpu.memory_space<vmem>> -> memref<1x128xi32, #tpu.memory_space<vmem>>
      %dma_start3A_283 = tpu.memref_squeeze %dma_start3A_282 : memref<1x128xi32, #tpu.memory_space<vmem>> -> memref<128xi32, #tpu.memory_space<vmem>>
      %dma_start3A_284 = arith.constant 0 : i32
      %dma_start3A_285 = arith.constant 0 : i32
      %dma_start3A_286 = tpu.memref_slice %arg5[%dma_start3A_284, %dma_start3A_285] : memref<16384x256xf32, #tpu.memory_space<hbm>> -> memref<16384x256xf32, #tpu.memory_space<hbm>>
      tpu.enqueue_indirect_dma source(%dma_start3A_286 : memref<16384x256xf32, #tpu.memory_space<hbm>>) target(%arg13 : memref<128x256xf32, #tpu.memory_space<vmem>>) offsets(%dma_start3A_283 : memref<128xi32, #tpu.memory_space<vmem>>) semaphore(%arg15 : memref<!tpu.dma_semaphore, #tpu.memory_space<semaphore_mem>>)
      %dma_wait3A_287 = arith.constant 0 : i32
      %dma_wait3A_288 = tpu.memref_slice %arg11[%mul3A_265, %dma_wait3A_287] : memref<128x128xi32, #tpu.memory_space<vmem>> -> memref<1x128xi32, #tpu.memory_space<vmem>>
      %dma_wait3A_289 = tpu.memref_squeeze %dma_wait3A_288 : memref<1x128xi32, #tpu.memory_space<vmem>> -> memref<128xi32, #tpu.memory_space<vmem>>
      %dma_wait3A_290 = arith.constant 0 : i32
      %dma_wait3A_291 = arith.constant 0 : i32
      %dma_wait3A_292 = tpu.memref_slice %arg5[%dma_wait3A_290, %dma_wait3A_291] : memref<16384x256xf32, #tpu.memory_space<hbm>> -> memref<16384x256xf32, #tpu.memory_space<hbm>>
      tpu.wait_indirect_dma semaphore(%arg14 : memref<!tpu.dma_semaphore, #tpu.memory_space<semaphore_mem>>) src(%dma_wait3A_292 : memref<16384x256xf32, #tpu.memory_space<hbm>>) dst(%arg12 : memref<128x256xf32, #tpu.memory_space<vmem>>)
      %mul3A_293 = arith.constant 2 : i32
      %mul3A_294 = arith.muli %mul3A_293, %while3A_257 : i32
      %dma_start3A_295 = arith.constant 0 : i32
      %dma_start3A_296 = tpu.memref_slice %arg10[%mul3A_294, %dma_start3A_295] : memref<128x128xi32, #tpu.memory_space<vmem>> -> memref<1x128xi32, #tpu.memory_space<vmem>>
      %dma_start3A_297 = tpu.memref_squeeze %dma_start3A_296 : memref<1x128xi32, #tpu.memory_space<vmem>> -> memref<128xi32, #tpu.memory_space<vmem>>
      %dma_start3A_298 = arith.constant 0 : i32
      %dma_start3A_299 = arith.constant 0 : i32
      %dma_start3A_300 = tpu.memref_slice %arg7[%dma_start3A_298, %dma_start3A_299] : memref<172032x256xf32, #tpu.memory_space<hbm>> -> memref<172032x256xf32, #tpu.memory_space<hbm>>
      tpu.enqueue_indirect_dma source(%arg12 : memref<128x256xf32, #tpu.memory_space<vmem>>) target(%dma_start3A_300 : memref<172032x256xf32, #tpu.memory_space<hbm>>) offsets(%dma_start3A_297 : memref<128xi32, #tpu.memory_space<vmem>>) semaphore(%arg16 : memref<!tpu.dma_semaphore, #tpu.memory_space<semaphore_mem>>)
      %dma_wait3A_301 = arith.constant 0 : i32
      %dma_wait3A_302 = tpu.memref_slice %arg11[%add3A_280, %dma_wait3A_301] : memref<128x128xi32, #tpu.memory_space<vmem>> -> memref<1x128xi32, #tpu.memory_space<vmem>>
      %dma_wait3A_303 = tpu.memref_squeeze %dma_wait3A_302 : memref<1x128xi32, #tpu.memory_space<vmem>> -> memref<128xi32, #tpu.memory_space<vmem>>
      %dma_wait3A_304 = arith.constant 0 : i32
      %dma_wait3A_305 = arith.constant 0 : i32
      %dma_wait3A_306 = tpu.memref_slice %arg5[%dma_wait3A_304, %dma_wait3A_305] : memref<16384x256xf32, #tpu.memory_space<hbm>> -> memref<16384x256xf32, #tpu.memory_space<hbm>>
      tpu.wait_indirect_dma semaphore(%arg15 : memref<!tpu.dma_semaphore, #tpu.memory_space<semaphore_mem>>) src(%dma_wait3A_306 : memref<16384x256xf32, #tpu.memory_space<hbm>>) dst(%arg13 : memref<128x256xf32, #tpu.memory_space<vmem>>)
      %mul3A_307 = arith.constant 2 : i32
      %mul3A_308 = arith.muli %mul3A_307, %while3A_257 : i32
      %add3A_309 = arith.constant 1 : i32
      %add3A_310 = arith.addi %mul3A_308, %add3A_309 : i32
      %dma_start3A_311 = arith.constant 0 : i32
      %dma_start3A_312 = tpu.memref_slice %arg10[%add3A_310, %dma_start3A_311] : memref<128x128xi32, #tpu.memory_space<vmem>> -> memref<1x128xi32, #tpu.memory_space<vmem>>
      %dma_start3A_313 = tpu.memref_squeeze %dma_start3A_312 : memref<1x128xi32, #tpu.memory_space<vmem>> -> memref<128xi32, #tpu.memory_space<vmem>>
      %dma_start3A_314 = arith.constant 0 : i32
      %dma_start3A_315 = arith.constant 0 : i32
      %dma_start3A_316 = tpu.memref_slice %arg7[%dma_start3A_314, %dma_start3A_315] : memref<172032x256xf32, #tpu.memory_space<hbm>> -> memref<172032x256xf32, #tpu.memory_space<hbm>>
      tpu.enqueue_indirect_dma source(%arg13 : memref<128x256xf32, #tpu.memory_space<vmem>>) target(%dma_start3A_316 : memref<172032x256xf32, #tpu.memory_space<hbm>>) offsets(%dma_start3A_313 : memref<128xi32, #tpu.memory_space<vmem>>) semaphore(%arg17 : memref<!tpu.dma_semaphore, #tpu.memory_space<semaphore_mem>>)
      %while3A_317 = arith.constant 0 : i32
      scf.yield %while3A_317 : i32
    }
    %while3A_253 = arith.constant 1 : i32
    %while3A_254 = scf.for %while3A_257 = %while3A_250 to %while3A_246 step %while3A_253 iter_args(%while3A_258 = %while3A_252) -> (i32)  : i32 {
      %gt3A_259 = arith.constant 0 : i32
      %gt3A_260 = arith.cmpi sgt, %while3A_257, %gt3A_259 : i32
      %convert_element_type3A_261 = arith.extui %gt3A_260 : i1 to i32
      %cond3A_262 = arith.constant 0 : i32
      %cond3A_263 = arith.cmpi ne, %convert_element_type3A_261, %cond3A_262 : i32
      scf.if %cond3A_263 {
        %mul3A_318 = arith.constant 2 : i32
        %mul3A_319 = arith.muli %mul3A_318, %while3A_257 : i32
        %sub3A_320 = arith.constant 2 : i32
        %sub3A_321 = arith.subi %mul3A_319, %sub3A_320 : i32
        %dma_wait3A_322 = arith.constant 0 : i32
        %dma_wait3A_323 = tpu.memref_slice %arg10[%sub3A_321, %dma_wait3A_322] : memref<128x128xi32, #tpu.memory_space<vmem>> -> memref<1x128xi32, #tpu.memory_space<vmem>>
        %dma_wait3A_324 = tpu.memref_squeeze %dma_wait3A_323 : memref<1x128xi32, #tpu.memory_space<vmem>> -> memref<128xi32, #tpu.memory_space<vmem>>
        %dma_wait3A_325 = arith.constant 0 : i32
        %dma_wait3A_326 = arith.constant 0 : i32
        %dma_wait3A_327 = tpu.memref_slice %arg7[%dma_wait3A_325, %dma_wait3A_326] : memref<172032x256xf32, #tpu.memory_space<hbm>> -> memref<172032x256xf32, #tpu.memory_space<hbm>>
        tpu.wait_indirect_dma semaphore(%arg16 : memref<!tpu.dma_semaphore, #tpu.memory_space<semaphore_mem>>) src(%arg12 : memref<128x256xf32, #tpu.memory_space<vmem>>) dst(%dma_wait3A_327 : memref<172032x256xf32, #tpu.memory_space<hbm>>)
      } else {
      }
      %mul3A_264 = arith.constant 2 : i32
      %mul3A_265 = arith.muli %mul3A_264, %while3A_257 : i32
      %dma_start3A_266 = arith.constant 0 : i32
      %dma_start3A_267 = tpu.memref_slice %arg11[%mul3A_265, %dma_start3A_266] : memref<128x128xi32, #tpu.memory_space<vmem>> -> memref<1x128xi32, #tpu.memory_space<vmem>>
      %dma_start3A_268 = tpu.memref_squeeze %dma_start3A_267 : memref<1x128xi32, #tpu.memory_space<vmem>> -> memref<128xi32, #tpu.memory_space<vmem>>
      %dma_start3A_269 = arith.constant 0 : i32
      %dma_start3A_270 = arith.constant 0 : i32
      %dma_start3A_271 = tpu.memref_slice %arg5[%dma_start3A_269, %dma_start3A_270] : memref<16384x256xf32, #tpu.memory_space<hbm>> -> memref<16384x256xf32, #tpu.memory_space<hbm>>
      tpu.enqueue_indirect_dma source(%dma_start3A_271 : memref<16384x256xf32, #tpu.memory_space<hbm>>) target(%arg12 : memref<128x256xf32, #tpu.memory_space<vmem>>) offsets(%dma_start3A_268 : memref<128xi32, #tpu.memory_space<vmem>>) semaphore(%arg14 : memref<!tpu.dma_semaphore, #tpu.memory_space<semaphore_mem>>)
      %gt3A_272 = arith.constant 0 : i32
      %gt3A_273 = arith.cmpi sgt, %while3A_257, %gt3A_272 : i32
      %convert_element_type3A_274 = arith.extui %gt3A_273 : i1 to i32
      %cond3A_275 = arith.constant 0 : i32
      %cond3A_276 = arith.cmpi ne, %convert_element_type3A_274, %cond3A_275 : i32
      scf.if %cond3A_276 {
        %mul3A_318 = arith.constant 2 : i32
        %mul3A_319 = arith.muli %mul3A_318, %while3A_257 : i32
        %sub3A_320 = arith.constant 1 : i32
        %sub3A_321 = arith.subi %mul3A_319, %sub3A_320 : i32
        %dma_wait3A_322 = arith.constant 0 : i32
        %dma_wait3A_323 = tpu.memref_slice %arg10[%sub3A_321, %dma_wait3A_322] : memref<128x128xi32, #tpu.memory_space<vmem>> -> memref<1x128xi32, #tpu.memory_space<vmem>>
        %dma_wait3A_324 = tpu.memref_squeeze %dma_wait3A_323 : memref<1x128xi32, #tpu.memory_space<vmem>> -> memref<128xi32, #tpu.memory_space<vmem>>
        %dma_wait3A_325 = arith.constant 0 : i32
        %dma_wait3A_326 = arith.constant 0 : i32
        %dma_wait3A_327 = tpu.memref_slice %arg7[%dma_wait3A_325, %dma_wait3A_326] : memref<172032x256xf32, #tpu.memory_space<hbm>> -> memref<172032x256xf32, #tpu.memory_space<hbm>>
        tpu.wait_indirect_dma semaphore(%arg17 : memref<!tpu.dma_semaphore, #tpu.memory_space<semaphore_mem>>) src(%arg13 : memref<128x256xf32, #tpu.memory_space<vmem>>) dst(%dma_wait3A_327 : memref<172032x256xf32, #tpu.memory_space<hbm>>)
      } else {
      }
      %mul3A_277 = arith.constant 2 : i32
      %mul3A_278 = arith.muli %mul3A_277, %while3A_257 : i32
      %add3A_279 = arith.constant 1 : i32
      %add3A_280 = arith.addi %mul3A_278, %add3A_279 : i32
      %dma_start3A_281 = arith.constant 0 : i32
      %dma_start3A_282 = tpu.memref_slice %arg11[%add3A_280, %dma_start3A_281] : memref<128x128xi32, #tpu.memory_space<vmem>> -> memref<1x128xi32, #tpu.memory_space<vmem>>
      %dma_start3A_283 = tpu.memref_squeeze %dma_start3A_282 : memref<1x128xi32, #tpu.memory_space<vmem>> -> memref<128xi32, #tpu.memory_space<vmem>>
      %dma_start3A_284 = arith.constant 0 : i32
      %dma_start3A_285 = arith.constant 0 : i32
      %dma_start3A_286 = tpu.memref_slice %arg5[%dma_start3A_284, %dma_start3A_285] : memref<16384x256xf32, #tpu.memory_space<hbm>> -> memref<16384x256xf32, #tpu.memory_space<hbm>>
      tpu.enqueue_indirect_dma source(%dma_start3A_286 : memref<16384x256xf32, #tpu.memory_space<hbm>>) target(%arg13 : memref<128x256xf32, #tpu.memory_space<vmem>>) offsets(%dma_start3A_283 : memref<128xi32, #tpu.memory_space<vmem>>) semaphore(%arg15 : memref<!tpu.dma_semaphore, #tpu.memory_space<semaphore_mem>>)
      %dma_wait3A_287 = arith.constant 0 : i32
      %dma_wait3A_288 = tpu.memref_slice %arg11[%mul3A_265, %dma_wait3A_287] : memref<128x128xi32, #tpu.memory_space<vmem>> -> memref<1x128xi32, #tpu.memory_space<vmem>>
      %dma_wait3A_289 = tpu.memref_squeeze %dma_wait3A_288 : memref<1x128xi32, #tpu.memory_space<vmem>> -> memref<128xi32, #tpu.memory_space<vmem>>
      %dma_wait3A_290 = arith.constant 0 : i32
      %dma_wait3A_291 = arith.constant 0 : i32
      %dma_wait3A_292 = tpu.memref_slice %arg5[%dma_wait3A_290, %dma_wait3A_291] : memref<16384x256xf32, #tpu.memory_space<hbm>> -> memref<16384x256xf32, #tpu.memory_space<hbm>>
      tpu.wait_indirect_dma semaphore(%arg14 : memref<!tpu.dma_semaphore, #tpu.memory_space<semaphore_mem>>) src(%dma_wait3A_292 : memref<16384x256xf32, #tpu.memory_space<hbm>>) dst(%arg12 : memref<128x256xf32, #tpu.memory_space<vmem>>)
      %mul3A_293 = arith.constant 2 : i32
      %mul3A_294 = arith.muli %mul3A_293, %while3A_257 : i32
      %dma_start3A_295 = arith.constant 0 : i32
      %dma_start3A_296 = tpu.memref_slice %arg10[%mul3A_294, %dma_start3A_295] : memref<128x128xi32, #tpu.memory_space<vmem>> -> memref<1x128xi32, #tpu.memory_space<vmem>>
      %dma_start3A_297 = tpu.memref_squeeze %dma_start3A_296 : memref<1x128xi32, #tpu.memory_space<vmem>> -> memref<128xi32, #tpu.memory_space<vmem>>
      %dma_start3A_298 = arith.constant 0 : i32
      %dma_start3A_299 = arith.constant 0 : i32
      %dma_start3A_300 = tpu.memref_slice %arg7[%dma_start3A_298, %dma_start3A_299] : memref<172032x256xf32, #tpu.memory_space<hbm>> -> memref<172032x256xf32, #tpu.memory_space<hbm>>
      tpu.enqueue_indirect_dma source(%arg12 : memref<128x256xf32, #tpu.memory_space<vmem>>) target(%dma_start3A_300 : memref<172032x256xf32, #tpu.memory_space<hbm>>) offsets(%dma_start3A_297 : memref<128xi32, #tpu.memory_space<vmem>>) semaphore(%arg16 : memref<!tpu.dma_semaphore, #tpu.memory_space<semaphore_mem>>)
      %dma_wait3A_301 = arith.constant 0 : i32
      %dma_wait3A_302 = tpu.memref_slice %arg11[%add3A_280, %dma_wait3A_301] : memref<128x128xi32, #tpu.memory_space<vmem>> -> memref<1x128xi32, #tpu.memory_space<vmem>>
      %dma_wait3A_303 = tpu.memref_squeeze %dma_wait3A_302 : memref<1x128xi32, #tpu.memory_space<vmem>> -> memref<128xi32, #tpu.memory_space<vmem>>
      %dma_wait3A_304 = arith.constant 0 : i32
      %dma_wait3A_305 = arith.constant 0 : i32
      %dma_wait3A_306 = tpu.memref_slice %arg5[%dma_wait3A_304, %dma_wait3A_305] : memref<16384x256xf32, #tpu.memory_space<hbm>> -> memref<16384x256xf32, #tpu.memory_space<hbm>>
      tpu.wait_indirect_dma semaphore(%arg15 : memref<!tpu.dma_semaphore, #tpu.memory_space<semaphore_mem>>) src(%dma_wait3A_306 : memref<16384x256xf32, #tpu.memory_space<hbm>>) dst(%arg13 : memref<128x256xf32, #tpu.memory_space<vmem>>)
      %mul3A_307 = arith.constant 2 : i32
      %mul3A_308 = arith.muli %mul3A_307, %while3A_257 : i32
      %add3A_309 = arith.constant 1 : i32
      %add3A_310 = arith.addi %mul3A_308, %add3A_309 : i32
      %dma_start3A_311 = arith.constant 0 : i32
      %dma_start3A_312 = tpu.memref_slice %arg10[%add3A_310, %dma_start3A_311] : memref<128x128xi32, #tpu.memory_space<vmem>> -> memref<1x128xi32, #tpu.memory_space<vmem>>
      %dma_start3A_313 = tpu.memref_squeeze %dma_start3A_312 : memref<1x128xi32, #tpu.memory_space<vmem>> -> memref<128xi32, #tpu.memory_space<vmem>>
      %dma_start3A_314 = arith.constant 0 : i32
      %dma_start3A_315 = arith.constant 0 : i32
      %dma_start3A_316 = tpu.memref_slice %arg7[%dma_start3A_314, %dma_start3A_315] : memref<172032x256xf32, #tpu.memory_space<hbm>> -> memref<172032x256xf32, #tpu.memory_space<hbm>>
      tpu.enqueue_indirect_dma source(%arg13 : memref<128x256xf32, #tpu.memory_space<vmem>>) target(%dma_start3A_316 : memref<172032x256xf32, #tpu.memory_space<hbm>>) offsets(%dma_start3A_313 : memref<128xi32, #tpu.memory_space<vmem>>) semaphore(%arg17 : memref<!tpu.dma_semaphore, #tpu.memory_space<semaphore_mem>>)
      %while3A_317 = arith.constant 0 : i32
      scf.yield %while3A_317 : i32
    }
    %gt3A = arith.constant 0 : i32
    %gt3A_255 = arith.cmpi sgt, %shift_right_arithmetic3A_210, %gt3A : i32
    %convert_element_type3A = arith.extui %gt3A_255 : i1 to i32
    %cond3A = arith.constant 0 : i32
    %cond3A_256 = arith.cmpi ne, %convert_element_type3A, %cond3A : i32
    scf.if %cond3A_256 {
      %mul3A_257 = arith.constant 2 : i32
      %mul3A_258 = arith.muli %mul3A_257, %shift_right_arithmetic3A_210 : i32
      %sub3A_259 = arith.constant 2 : i32
      %sub3A_260 = arith.subi %mul3A_258, %sub3A_259 : i32
      %dma_wait3A_261 = arith.constant 0 : i32
      %dma_wait3A_262 = tpu.memref_slice %arg10[%sub3A_260, %dma_wait3A_261] : memref<128x128xi32, #tpu.memory_space<vmem>> -> memref<1x128xi32, #tpu.memory_space<vmem>>
      %dma_wait3A_263 = tpu.memref_squeeze %dma_wait3A_262 : memref<1x128xi32, #tpu.memory_space<vmem>> -> memref<128xi32, #tpu.memory_space<vmem>>
      %dma_wait3A_264 = arith.constant 0 : i32
      %dma_wait3A_265 = arith.constant 0 : i32
      %dma_wait3A_266 = tpu.memref_slice %arg7[%dma_wait3A_264, %dma_wait3A_265] : memref<172032x256xf32, #tpu.memory_space<hbm>> -> memref<172032x256xf32, #tpu.memory_space<hbm>>
      tpu.wait_indirect_dma semaphore(%arg16 : memref<!tpu.dma_semaphore, #tpu.memory_space<semaphore_mem>>) src(%arg12 : memref<128x256xf32, #tpu.memory_space<vmem>>) dst(%dma_wait3A_266 : memref<172032x256xf32, #tpu.memory_space<hbm>>)
      %mul3A_267 = arith.constant 2 : i32
      %mul3A_268 = arith.muli %mul3A_267, %shift_right_arithmetic3A_210 : i32
      %sub3A_269 = arith.constant 1 : i32
      %sub3A_270 = arith.subi %mul3A_268, %sub3A_269 : i32
      %dma_wait3A_271 = arith.constant 0 : i32
      %dma_wait3A_272 = tpu.memref_slice %arg10[%sub3A_270, %dma_wait3A_271] : memref<128x128xi32, #tpu.memory_space<vmem>> -> memref<1x128xi32, #tpu.memory_space<vmem>>
      %dma_wait3A_273 = tpu.memref_squeeze %dma_wait3A_272 : memref<1x128xi32, #tpu.memory_space<vmem>> -> memref<128xi32, #tpu.memory_space<vmem>>
      %dma_wait3A_274 = arith.constant 0 : i32
      %dma_wait3A_275 = arith.constant 0 : i32
      %dma_wait3A_276 = tpu.memref_slice %arg7[%dma_wait3A_274, %dma_wait3A_275] : memref<172032x256xf32, #tpu.memory_space<hbm>> -> memref<172032x256xf32, #tpu.memory_space<hbm>>
      tpu.wait_indirect_dma semaphore(%arg17 : memref<!tpu.dma_semaphore, #tpu.memory_space<semaphore_mem>>) src(%arg13 : memref<128x256xf32, #tpu.memory_space<vmem>>) dst(%dma_wait3A_276 : memref<172032x256xf32, #tpu.memory_space<hbm>>)
    } else {
    }
    return
  }
}

</mosaic_0001>

<sc_bundles>
// kernel: kernel.3.cloned.1.call-start
scs
__scs_entry_jumppad:
0x0: {  	(pc) =	sbr.rel $0x88, $3  }
0x1: {  	(tag) =	ssettag $0x0;
	lr =	simm.s32 $0x1  }
0x2: {  	[smem:$0x3F9C] =	sst lr;
	_ =	strace $0xD0000000  }
0x3: {  	_ = 	snop  }
0x4: {  	_ = 	snop  }
0x5: {  	_ = 	snop  }
0x6: {  	_ = 	snop  }
0x7: {  	_ = 	snop  }
__scs_overlays_trampoline_lowered:
0x8: {  	[smem:$0x3FAB] =	sst s0  }
0x9: {  	[smem:$0x3FAC] =	sst s1  }
0xa: {  	[smem:$0x3FAD] =	sst s2  }
0xb: {  	[smem:$0x3FAE] =	sst s3  }
0xc: {  	[smem:$0x3FAF] =	sst s4  }
0xd: {  	[smem:$0x3FB0] =	sst s5  }
0xe: {  	[smem:$0x3FB1] =	sst s6  }
0xf: {  	[smem:$0x3FB2] =	sst s7  }
0x10: {  	[smem:$0x3FB3] =	sst s8  }
0x11: {  	[smem:$0x3FB4] =	sst s9;
	s0 =	simm.s32 @!p0 $0x0  }
0x12: {  	s1 =	sld [smem:$0x3F9A];
	s0 =	simm.s32 @p0 $0x1  }
0x13: {  	[smem:$0x3FB5] =	sst s0;
	s0 =	simm.s32 @!p1 $0x0  }
0x14: {  	s2 =	sld [smem:$0x3F99];
	s0 =	simm.s32 @p1 $0x1  }
0x15: {  	[smem:$0x3FB6] =	sst s0;
	s0 =	simm.s32 @!p2 $0x0  }
0x16: {  	s3 =	sld [smem:$0x3FDB];
	s0 =	simm.s32 @p2 $0x1  }
0x17: {  	s4 =	simm.s32 $0x1BF5;
	[smem:$0x3FB8] =	sst s0  }
0x18: {  	s0 =	sld [smem:$0x3F9B];
	_ =	swait.ge [sflag:s4], $0x0  }
0x19: {  	s7 =	sld [smem:$0x3F9C]  }
0x1a: {  	s8 =	sadd.s32 $0xFFFFE003, lr  }
0x1b: {  	s9 =	sadd.s32 $0xFFFFFEF7, lr;
	s5 =	simm.s32 $0xFFFFFFFF;
	p2 =	slt.u32 s8, $0xFFFFF086  }
0x1c: {  	p1 =	slt.u32 s9, $0xF7A;
	s5 =	simm.s32 @!p2 $0x0  }
0x1d: {  	s5 =	simm.s32 @p1 $0x1;
	p0 =	seq.s32 s7, s2  }
0x1e: {  	s7 =	smul.u32 @!p0 $0xF7A, s2;
	p2 =	seq.s32 @!p0 s5, $0x0  }
0x1f: {  	s9 =	smul.u32 $0xF7A, s1;
	s8 =	simm.s32 @!p0 $0x1BF5;
	p2 =	por !p2, p0  }
0x20: {  	[sflag:s8] =	ssyncset.s32 @!p0 $0xFFFFF086;
	s6 =	sadd.s32 @!p0 s3, s7;
	s7 =	simm.s32 @!p0 $0x108  }
0x21: {  	s3 =	sadd.s32 s3, s9;
	s6 =	sadd.s32 @!p0 $0x88, s6;
	s7 =	simm.s32 @p2 $0x1082  }
0x22: {  	[simem:s7], [sflag:s8] =	dma.local @!p0 [hbm:s6], $0xF7A  }
0x23: {  	s9 =	sor.u32 $0xD0000000, s2;
	s6 =	simm.s32 $0x108;
	_ =	swait.ge @!p0 [sflag:s8], $0x0  }
0x24: {  	s3 =	sadd.s32 $0x88, s3;
	s6 =	simm.s32 @!p1 $0x1082;
	[sflag:s4] =	ssyncset.s32 $0xFFFFF086  }
0x25: {  	[simem:s6], [sflag:s4] =	dma.local [hbm:s3], $0xF7A  }
0x26: {  	[smem:$0x3F9C] =	sst s1;
	(tag) =	ssettag s2;
	_ =	strace s9  }
0x27: {  	s1 =	sld [smem:$0x3FAC]  }
0x28: {  	s2 =	sld [smem:$0x3FAD]  }
0x29: {  	s4 =	sld [smem:$0x3FAF]  }
0x2a: {  	p0 =	seq.s32 s5, $0x0;
	s5 =	sld [smem:$0x3FB0]  }
0x2b: {  	s6 =	sld [smem:$0x3FB1]  }
0x2c: {  	s7 =	sld [smem:$0x3FB2]  }
0x2d: {  	s3 =	simm.s32 $0x108;
	s8 =	sld [smem:$0x3FB3]  }
0x2e: {  	s3 =	simm.s32 @!p0 $0x1082;
	s9 =	sld [smem:$0x3FB4]  }
0x2f: {  	lr =	sadd.s32 s0, s3;
	s0 =	sld [smem:$0x3FAB]  }
0x30: {  	s3 =	sld [smem:$0x3FAE]  }
0x31: {  	[smem:$0x3FB7] =	sst s10  }
0x32: {  	s10 =	sld [smem:$0x3FB5];
	_ =	sdelay $0x3  }
0x33: {  	p0 =	seq.s32 s10, $0x1;
	s10 =	sld [smem:$0x3FB7];
	_ =	sdelay $0x3  }
0x34: {  	[smem:$0x3FB7] =	sst s10  }
0x35: {  	s10 =	sld [smem:$0x3FB6];
	_ =	sdelay $0x3  }
0x36: {  	p1 =	seq.s32 s10, $0x1;
	s10 =	sld [smem:$0x3FB7];
	_ =	sdelay $0x3  }
0x37: {  	[smem:$0x3FB7] =	sst s10  }
0x38: {  	s10 =	sld [smem:$0x3FB8]  }
0x39: {  	_ = 	snop;
	(pc) =	sbr.ind lr, $3  }
0x3a: {  	_ = 	snop  }
0x3b: {  	_ = 	snop  }
0x3c: {  	p2 =	seq.s32 s10, $0x1;
	s10 =	sld [smem:$0x3FB7]  }
0x3d: {  	_ =	shalt  }
0x3e: {  	_ =	shalt  }
0x3f: {  	_ =	shalt  }
0x40: {  	_ =	shalt  }
0x41: {  	_ =	shalt  }
0x42: {  	_ =	shalt  }
0x43: {  	_ =	shalt  }
0x44: {  	_ =	shalt  }
0x45: {  	_ =	shalt  }
0x46: {  	_ =	shalt  }
0x47: {  	_ =	shalt  }
0x48: {  	_ =	shalt  }
0x49: {  	_ =	shalt  }
0x4a: {  	_ =	shalt  }
0x4b: {  	_ =	shalt  }
0x4c: {  	_ =	shalt  }
0x4d: {  	_ =	shalt  }
0x4e: {  	_ =	shalt  }
0x4f: {  	_ =	shalt  }
0x50: {  	_ =	shalt  }
0x51: {  	_ =	shalt  }
0x52: {  	_ =	shalt  }
0x53: {  	_ =	shalt  }
0x54: {  	_ =	shalt  }
0x55: {  	_ =	shalt  }
0x56: {  	_ =	shalt  }
0x57: {  	_ =	shalt  }
0x58: {  	_ =	shalt  }
0x59: {  	_ =	shalt  }
0x5a: {  	_ =	shalt  }
0x5b: {  	_ =	shalt  }
0x5c: {  	_ =	shalt  }
0x5d: {  	_ =	shalt  }
0x5e: {  	_ =	shalt  }
0x5f: {  	_ =	shalt  }
0x60: {  	_ =	shalt  }
0x61: {  	_ =	shalt  }
0x62: {  	_ =	shalt  }
0x63: {  	_ =	shalt  }
0x64: {  	_ =	shalt  }
0x65: {  	_ =	shalt  }
0x66: {  	_ =	shalt  }
0x67: {  	_ =	shalt  }
0x68: {  	_ =	shalt  }
0x69: {  	_ =	shalt  }
0x6a: {  	_ =	shalt  }
0x6b: {  	_ =	shalt  }
0x6c: {  	_ =	shalt  }
0x6d: {  	_ =	shalt  }
0x6e: {  	_ =	shalt  }
0x6f: {  	_ =	shalt  }
0x70: {  	_ =	shalt  }
0x71: {  	_ =	shalt  }
0x72: {  	_ =	shalt  }
0x73: {  	_ =	shalt  }
0x74: {  	_ =	shalt  }
0x75: {  	_ =	shalt  }
0x76: {  	_ =	shalt  }
0x77: {  	_ =	shalt  }
0x78: {  	_ =	shalt  }
0x79: {  	_ =	shalt  }
0x7a: {  	_ =	shalt  }
0x7b: {  	_ =	shalt  }
0x7c: {  	_ =	shalt  }
0x7d: {  	_ =	shalt  }
0x7e: {  	_ =	shalt  }
0x7f: {  	_ =	shalt  }
0x80: {  	_ =	shalt  }
0x81: {  	_ =	shalt  }
0x82: {  	_ =	shalt  }
0x83: {  	_ =	shalt  }
0x84: {  	_ =	shalt  }
0x85: {  	_ =	shalt  }
0x86: {  	_ =	shalt  }
0x87: {  	_ =	shalt  }
.Lfunc_end0:
.L_simem_size_0:
called_computation_lowered:
.L_overlay_start_0:
0x88: {  	s2 =	sld [smem:$0x3FD9]  }
0x89: {  	s3 =	sld [smem:$0x3FFE];
	_ =	sdelay $0x1  }
0x8a: {  	s1 =	srdreg.scid  }
0x8b: {  	s0 =	sand.u32 $0x1, s1  }
0x8c: {  	s18 =	sshll.u32 s0, $0xA;
	s2 =	sadd.s32 s3, s2  }
0x8d: {  	s2 =	sadd.s32 s2, s18  }
0x8e: {  	[smem:$0x3FC3] =	sst s2  }
0x8f: {  	_ = 	snop  }
0x90: {  	s2 =	sld [smem:$0x3FC9]  }
0x91: {  	s19 =	sld [smem:$0x3FC8]  }
0x92: {  	s4 =	sld [smem:$0x3FC7]  }
0x93: {  	s5 =	sld [smem:$0x3FC6]  }
0x94: {  	s6 =	sld [smem:$0x3FC5]  }
0x95: {  	s7 =	sld [smem:$0x3FD0];
	(tm) =	ssettm $0x1  }
0x96: {  	s8 =	sld [smem:$0x3FFB];
	_ =	sdelay $0x3  }
0x97: {  	_ =	strace s8  }
0x98: {  	s8 =	sld [smem:$0x3FFC];
	_ =	sdelay $0x3  }
0x99: {  	_ =	strace s8  }
0x9a: {  	s8 =	sld [smem:$0x3FFD];
	_ =	sdelay $0x3  }
0x9b: {  	_ =	strace s8  }
0x9c: {  	_ =	strace $0x8FFFFFFF  }
0x9d: {  	s20 =	sld [smem:$0x3FDB];
	_ =	sdelay $0x1  }
0x9e: {  	s9 =	simm.s32 $_scs_section_size  }
0x9f: {  	s10 =	simm.s32 $_size__tile_overlayer_lowered;
	s11 =	simm.s32 $_tile_overlayer_lowered  }
0xa0: {  	s23 =	simm.s32 $0x1BFF;
	s22 =	sshll.u32 s11, $0x1;
	s8 =	sadd.s32 s9, s20  }
0xa1: {  	s12 =	simm.s32 $0x0;
	s21 =	sshll.u32 s10, $0x1;
	s10 =	sadd.s32 s22, s8  }
0xa2: {  	[timem:s12], [sflag:s23] =	dma.local [hbm:s10], s21  }
0xa3: {  	_ =	swait.ge [sflag:s23], s21  }
0xa4: {  	s9 =	ssub.s32 $0x0, s21;
	[sflag:s23] =	ssyncset.done $0x0  }
0xa5: {  	[sflag:s23] =	ssyncadd.s32 s9;
	_ =	sdelay $0x1  }
0xa6: {  	s24 =	simm.s32 $0x1B8B  }
0xa7: {  	_ =	swait.ge [sflag:s24], $0x1  }
0xa8: {  	[sflag:s24] =	ssyncset.done $0x0  }
0xa9: {  	s25 =	simm.s32 $0x1B8E;
	[sflag:s24] =	ssyncadd.s32 $0xFFFFFFFF  }
0xaa: {  	s26 =	simm.s32 $execute0_lowered;
	[smem:$0x3FD2] =	sst s25  }
0xab: {  	s9 =	sshll.u32 s26, $0x1;
	_ =	strace $0x80000046;
	[dreg:$0x1] =	wrdreg $0xFFFFFFFF  }
0xac: {  	s28 =	simm.s32 $_size_execute0_lowered;
	s8 =	sadd.s32 s8, s9;
	[dreg:$0x0] =	wrdreg $0x0  }
0xad: {  	s9 =	sshll.u32 s28, $0x1;
	[dreg:$0x2] =	wrdreg s8  }
0xae: {  	[dreg:$0x3] =	wrdreg s9  }
0xaf: {  	[dreg:$0x4] =	wrdreg $0xC0  }
0xb0: {  	_ =	task [dreg:s12], $0x5FFFF  }
0xb1: {  	[dreg:$0x1] =	wrdreg $0xFFFFFFFF  }
0xb2: {  	[dreg:$0x0] =	wrdreg $0x60  }
0xb3: {  	[dreg:$0x2] =	wrdreg s2  }
0xb4: {  	[dreg:$0x3] =	wrdreg s19  }
0xb5: {  	[dreg:$0x4] =	wrdreg s4  }
0xb6: {  	[dreg:$0x5] =	wrdreg s5  }
0xb7: {  	[dreg:$0x6] =	wrdreg s6  }
0xb8: {  	[dreg:$0x7] =	wrdreg s7  }
0xb9: {  	[dreg:$0x8] =	wrdreg $0x9  }
0xba: {  	_ =	task.clear_ibuf [dreg:s12], $0x9FFFF;
	_ =	strace $0x90000046  }
0xbb: {  	s29 =	simm.s32 $0x9;
	_ =	strace $0x80000048  }
0xbc: {  	_ =	swait.ge [sflag:s29], $0x1  }
0xbd: {  	[sflag:s29] =	ssyncadd.s32 $0xFFFFFFFF  }
0xbe: {  	_ =	strace $0x90000048  }
0xbf: {  	_ =	sfence  }
0xc0: {  	s30 =	sld [smem:$0x0];
	_ =	sdelay $0x2  }
0xc1: {  	s31 =	sshll.u32 s1, $0xD;
	s1 =	sshrl.u32 s1, $0x2  }
0xc2: {  	s3 =	sand.u32 $0x4000, s31;
	s1 =	sadd.s32 s1, s30  }
0xc3: {  	s0 =	sor.u32 s3, s0;
	s1 =	sshll.u32 s1, $0x11  }
0xc4: {  	s0 =	sor.u32 s1, s0  }
0xc5: {  	s0 =	sadd.s32 $0x8F2B, s0  }
0xc6: {  	[sflag:s0] =	ssyncadd.remote.s32 $0x1  }
0xc7: {  	_ =	sfence.sel $0xFFFF  }
0xc8: {  	[dreg:$0x0] =	wrdreg $0xFFFFFFFF;
	(pc) =	sbr.abs _section_cstart, $3  }
0xc9: {  	[dreg:$0x1] =	wrdreg $0xFFFFFFFF  }
0xca: {  	_ =	task.clear_ibuf [dreg:s12], $0x2FFFF;
	_ =	strace $0x9FFFFFFF  }
0xcb: {  	(tm) =	ssettm $0x7FFFFFFF  }
tec
execute0_lowered:
.L_overlay_start_1:
0x0: {  	(tag) =	ssettag $0x1  }
0x1: {  	s2 =	rddreg [dreg:$0x0]  }
0x2: {  	s29 =	rddreg [dreg:$0x1]  }
0x3: {  	s0 =	rddreg [dreg:$0x2]  }
0x4: {  	s3 =	rddreg [dreg:$0x3]  }
0x5: {  	s6 =	rddreg [dreg:$0x5];
	s1 =	srdreg.scid  }
0x6: {  	s11 =	stileid.u32;
	s7 =	simm.s32 $0x0;
	s31 =	simm.s32 $0xD080  }
0x7: {  	s12 =	simm.s32 $0x5080;
	s1 =	sand.u32 $0x1, s1;
	s5 =	sshll.u32 s11, $0x1  }
0x8: {  	s13 =	simm.s32 $0x9080;
	[smem:$0x7FF] =	sst s7;
	s5 =	sor.u32 s1, s5  }
0x9: {  	s4 =	ssub.s32 $0x2, s1;
	_ =	strace $0x80000047;
	s15 =	sshll.u32 s5, $0xC  }
0xa: {  	s19 =	sshll.u32 s5, $0xF;
	s14 =	sshll.u32 s5, $0xA;
	[dreg:$0x9] =	wrdreg s15  }
0xb: {  	s8 =	sshrl.u32 s4, $0x1;
	s20 =	sadd.s32 s29, s19;
	[dreg:$0x19] =	wrdreg s14  }
0xc: {  	s4 =	ssub.s32 s4, s8;
	s8 =	sshll.u32 s5, $0x11;
	[dreg:$0xe] =	wrdreg s20  }
0xd: {  	s24 =	sshll.u32 s11, $0xD;
	s16 =	sor.u32 $0x20000, s14;
	[dreg:$0x8] =	wrdreg s8  }
0xe: {  	s11 =	simm.s32 $0x4;
	s9 =	sadd.s32 s2, s8;
	[dreg:$0x1a] =	wrdreg s16  }
0xf: {  	s5 =	sshll.u32 s5, $0xD;
	s18 =	sadd.s32 s6, s8;
	[dreg:$0xa] =	wrdreg s9  }
0x10: {  	s1 =	sshll.u32 s1, $0xC;
	s0 =	sadd.s32 s0, s5;
	[dreg:$0xc] =	wrdreg s18  }
0x11: {  	s17 =	sor.u32 $0x1000, s8;
	s26 =	smax.u32 s4, $0x1;
	[dreg:$0x10] =	wrdreg s0  }
0x12: {  	v0 =	vmov s15;
	s15 =	simm.s32 $0x0;
	s10 =	sadd.s32 s2, s17;
	[dreg:$0x16] =	wrdreg s26  }
0x13: {  	s21 =	sshll.u32 s16, $0x5;
	s9 =	sadd.s32 s6, s17;
	[dreg:$0xb] =	wrdreg s10  }
0x14: {  	s23 =	sadd.s32 s5, s6;
	s0 =	sadd.s32 $0x1000, s0;
	[dreg:$0xd] =	wrdreg s9  }
0x15: {  	s4 =	simm.s32 $0x4000;
	s25 =	sadd.s32 $0x500000, s23;
	[dreg:$0x13] =	wrdreg s0  }
0x16: {  	s5 =	simm.s32 $0x1;
	s9 =	sadd.s32 $0x1000, s20;
	[dreg:$0x14] =	wrdreg s25  }
0x17: {  	s10 =	sadd.s32 s19, s6;
	s0 =	sadd.s32 $0x501000, s23;
	[dreg:$0xf] =	wrdreg s9  }
.Ltmp0:
0x18: {  	s22 =	sadd.s32 $0x401000, s10;
	[dreg:$0x15] =	wrdreg s0;
	(pc) =	sbr.rel .LBB2_1-.Ltmp0, $4  }
0x19: {  	s9 =	sadd.s32 s6, s21;
	[dreg:$0x12] =	wrdreg s22;
	s22 =	sor.u32 s1, s24  }
0x1a: {  	v1 =	vimm.s32 $0xFFFFFFFF;
	v2 =	vlaneseq.u32;
	v3 =	vimm.s32 $0x0;
	s10 =	simm.s32 $0x3;
	[dreg:$0x11] =	wrdreg s9;
	s28 =	sor.u32 $0x400, s22  }
0x1b: {  	vm0 =	vmmov $0xffff;
	v4 =	vmul.u32 $0x4000, v2;
	v6 =	vshrl.u32 v2, $0x3;
	s1 =	simm.s32 $0x15080;
	s30 =	sor.u32 $0x600, s22;
	[dreg:$0x17] =	wrdreg s28  }
0x1c: {  	v5 =	vand.u32 $0x7, v2;
	v7 =	vor.u32 $0x8, v2;
	v6 =	vmul.u32 $0x8, v6;
	s9 =	simm.s32 $0x2;
	s26 =	sor.u32 $0x200, s22;
	[dreg:$0x18] =	wrdreg s30  }
.LBB2_31:
0x1d: {  	s15 =	sadd.s32 $0x1, s15;
	s0 =	rddreg [dreg:$0x16]  }
0x1e: {  	p0 =	sne.s32 s15, s0  }
.Ltmp1:
0x1f: {  	_ = 	snop;
	(pc) =	sbr.rel @!p0 .LBB2_32-.Ltmp1, $1  }
0x20: {  	_ =	sdelay $0x3  }
.LBB2_1:
0x21: {  	s0 =	rddreg [dreg:$0x4]  }
0x22: {  	[tilespmem:s7], [sflag:$0x5] =	stream.linear.gather [hbm4b:s0+s7], $0x4000, $0x38;
	[tilespmem:$0x1D080] =	vst v63  }
0x23: {  	[dreg:$0x1b] =	wrdreg s15;
	s15 =	simm.s32 $0x0;
	s0 =	simm.s32 $0x40  }
.LBB2_2:
0x24: {  	p0 =	sne.s32 s0, $0x4000;
	[tilespmem:s15+$0x4000] =	vst v1;
	s15 =	smov.u32 s0;
	s0 =	sadd.s32 $0x40, s0  }
.Ltmp2:
0x25: {  	(pc) =	sbr.rel @p0 .LBB2_2-.Ltmp2, $2  }
0x26: {  	_ =	sdelay $0x2  }
0x27: {  	s15 =	sshra.s32 s15, $0x2  }
0x28: {  	[tilespmem:s15+$0x4000] =	vst v1;
	s0 =	simm.s32 $0x5  }
0x29: {  	_ =	swait.ge [sflag:s0], $0x4000  }
0x2a: {  	[sflag:s0] =	ssyncset.done $0x0  }
0x2b: {  	s28 =	rddreg [dreg:$0xa];
	[sflag:s0] =	ssyncadd.s32 $0xFFFFC000;
	s0 =	simm.s32 $0x0  }
0x2c: {  	[tilespmem:s31], [sflag:$0x1] =	stream.linear.gather [hbm4b:s28+s0], $0x8000, $0x38;
	[tilespmem:$0x1D080] =	vst v63  }
0x2d: {  	s30 =	rddreg [dreg:$0xb]  }
0x2e: {  	[tilespmem:s1], [sflag:$0x2] =	stream.linear.gather [hbm4b:s30+s0], $0x8000, $0x38;
	[tilespmem:$0x1D080] =	vst v63  }
0x2f: {  	s15 =	simm.s32 $0x10;
	s17 =	simm.s32 $0x0;
	v8 =	vld [tilespmem:s0+$0x0]  }
.LBB2_4:
0x30: {  	p0 =	sne.s32 s15, $0x1F0;
	_ =	sdelay $0x3  }
0x31: {  	v8 =	vsub.s32 v8, v0  }
0x32: {  	v8 =	vmin.u32 v8, $0x1000  }
0x33: {  	(xrf1) =	vunique.msk.u32 $0xffff, v8;
	_ =	sdelay $0xd  }
0x34: {  	_, v9, vm1 =	vpop (xrf1);
	_ =	sdelay $0x2  }
.Ltmp3:
0x35: {  	(pc) =	sbr.rel @p0 .LBB2_4-.Ltmp3, $4  }
0x36: {  	_ = 	snop  }
0x37: {  	v9 =	vor.u32 s0, v2;
	s0 =	smov.u32 s15  }
0x38: {  	s17 =	sadd.s32 $0x10, s17;
	[tilespmem:v8+s4+$0x0] =	vst.idx.msk vm1, v9  }
0x39: {  	s15 =	sadd.s32 $0x10, s15;
	v8 =	vld [tilespmem:s17+$0x0]  }
0x3a: {  	_ =	sdelay $0x3  }
0x3b: {  	v8 =	vsub.s32 v8, v0  }
0x3c: {  	v8 =	vmin.u32 v8, $0x1000  }
0x3d: {  	(xrf1) =	vunique.msk.u32 $0xffff, v8;
	_ =	sdelay $0xd  }
0x3e: {  	_, v9, vm1 =	vpop (xrf1);
	_ =	sdelay $0x4  }
0x3f: {  	v9 =	vor.u32 s0, v2  }
0x40: {  	[tilespmem:v8+s4+$0x0] =	vst.idx.msk vm1, v9  }
0x41: {  	_ =	swait.ge [sflag:s5], $0x8000  }
0x42: {  	s15 =	simm.s32 $0x0;
	[sflag:s5] =	ssyncset.done $0x0  }
0x43: {  	s0 =	simm.s32 $0x200;
	s30 =	rddreg [dreg:$0xc];
	[sflag:s5] =	ssyncadd.s32 $0xFFFF8000  }
0x44: {  	[hbm4b:s30+s15] =	stream.linear.scatter [tilespmem:s31], [sflag:$0x3], $0x8000, $0x38;
	[tilespmem:$0x1D080] =	vst v63  }
0x45: {  	s17 =	sand.u32 $0x380, s0;
	s15 =	sand.u32 $0x70, s15  }
0x46: {  	s15 =	sor.u32 s15, s17  }
0x47: {  	v8 =	vld [tilespmem:s15+$0x0];
	_ =	sdelay $0x4  }
0x48: {  	v8 =	vsub.s32 v8, v0  }
0x49: {  	v8 =	vmin.u32 v8, $0x1000  }
0x4a: {  	(xrf1) =	vunique.msk.u32 $0xffff, v8;
	_ =	sdelay $0xd  }
0x4b: {  	_, v9, vm1 =	vpop (xrf1);
	_ =	sdelay $0x3  }
0x4c: {  	s18 =	simm.s32 $0x210;
	s17 =	simm.s32 $0x10;
	s15 =	simm.s32 $0x20  }
.LBB2_6:
0x4d: {  	p0 =	sne.s32 s15, $0x1F0;
	s19 =	sand.u32 $0x380, s18;
	s17 =	sand.u32 $0x70, s17;
	v9 =	vor.u32 s0, v2  }
0x4e: {  	s0 =	smov.u32 s18;
	s19 =	sor.u32 s17, s19;
	[tilespmem:v8+s4+$0x0] =	vst.idx.msk vm1, v9;
	s17 =	smov.u32 s15  }
0x4f: {  	v8 =	vld [tilespmem:s19+$0x0];
	_ =	sdelay $0x4  }
0x50: {  	v8 =	vsub.s32 v8, v0  }
0x51: {  	v8 =	vmin.u32 v8, $0x1000  }
0x52: {  	(xrf1) =	vunique.msk.u32 $0xffff, v8;
	_ =	sdelay $0xd  }
.Ltmp4:
0x53: {  	_, v9, vm1 =	vpop (xrf1);
	(pc) =	sbr.rel @p0 .LBB2_6-.Ltmp4, $2  }
0x54: {  	_ =	sdelay $0x2  }
0x55: {  	s15 =	sadd.s32 $0x10, s15;
	s18 =	sadd.s32 $0x200, s17  }
0x56: {  	_ =	sdelay $0x3  }
0x57: {  	s15 =	sand.u32 $0x380, s18;
	s17 =	sand.u32 $0x70, s17;
	v9 =	vor.u32 s0, v2  }
0x58: {  	s28 =	sor.u32 s17, s15;
	[tilespmem:v8+s4+$0x0] =	vst.idx.msk vm1, v9  }
0x59: {  	v8 =	vld [tilespmem:s28+$0x0];
	_ =	sdelay $0x4  }
0x5a: {  	v8 =	vsub.s32 v8, v0  }
0x5b: {  	v8 =	vmin.u32 v8, $0x1000  }
0x5c: {  	(xrf1) =	vunique.msk.u32 $0xffff, v8;
	_ =	sdelay $0xd  }
0x5d: {  	_, v9, vm1 =	vpop (xrf1);
	_ =	sdelay $0x4  }
0x5e: {  	v9 =	vor.u32 s18, v2  }
0x5f: {  	[tilespmem:v8+s4+$0x0] =	vst.idx.msk vm1, v9  }
0x60: {  	_ =	swait.ge [sflag:s9], $0x8000  }
0x61: {  	s19 =	simm.s32 $0x400;
	s20 =	simm.s32 $0x600;
	[sflag:s9] =	ssyncset.done $0x0  }
0x62: {  	s17 =	simm.s32 $0x1;
	s30 =	rddreg [dreg:$0xd];
	[sflag:s9] =	ssyncadd.s32 $0xFFFF8000  }
0x63: {  	[hbm4b:s30+s7] =	stream.linear.scatter [tilespmem:s1], [sflag:$0x4], $0x8000, $0x38;
	[tilespmem:$0x1D080] =	vst v63  }
.LBB2_8:
0x64: {  	_ =	swait.ge [sflag:s10], $0x8000;
	s15 =	sshll.u32 s17, $0xD  }
0x65: {  	[sflag:s10] =	ssyncset.done $0x0;
	s21 =	sadd.s32 s8, s15  }
0x66: {  	s18 =	simm.s32 $0x0;
	[sflag:s10] =	ssyncadd.s32 $0xFFFF8000;
	s0 =	sadd.s32 s2, s21  }
0x67: {  	[tilespmem:s31], [sflag:$0x1] =	stream.linear.gather [hbm4b:s0+s18], $0x8000, $0x38;
	[tilespmem:$0x1D080] =	vst v63  }
0x68: {  	s0 =	sadd.s32 $0x0, s19  }
0x69: {  	s18 =	sand.u32 $0x70, s18;
	s23 =	sand.u32 $0x3D80, s0  }
0x6a: {  	s18 =	sor.u32 s18, s23  }
0x6b: {  	v8 =	vld [tilespmem:s18+$0x0];
	_ =	sdelay $0x4  }
0x6c: {  	v8 =	vsub.s32 v8, v0  }
0x6d: {  	v8 =	vmin.u32 v8, $0x1000  }
0x6e: {  	(xrf1) =	vunique.msk.u32 $0xffff, v8;
	_ =	sdelay $0xd  }
0x6f: {  	_, v9, vm1 =	vpop (xrf1);
	_ =	sdelay $0x3  }
0x70: {  	s24 =	sadd.s32 $0x10, s19;
	s23 =	simm.s32 $0x10;
	s18 =	simm.s32 $0x20  }
.LBB2_9:
0x71: {  	p0 =	sne.s32 s18, $0x1F0;
	s25 =	sand.u32 $0x3D80, s24;
	s23 =	sand.u32 $0x70, s23;
	v9 =	vor.u32 s0, v2  }
0x72: {  	s0 =	smov.u32 s24;
	s25 =	sor.u32 s23, s25;
	[tilespmem:v8+s4+$0x0] =	vst.idx.msk vm1, v9;
	s23 =	smov.u32 s18  }
0x73: {  	v8 =	vld [tilespmem:s25+$0x0];
	_ =	sdelay $0x4  }
0x74: {  	v8 =	vsub.s32 v8, v0  }
0x75: {  	v8 =	vmin.u32 v8, $0x1000  }
0x76: {  	(xrf1) =	vunique.msk.u32 $0xffff, v8;
	_ =	sdelay $0xd  }
.Ltmp5:
0x77: {  	_, v9, vm1 =	vpop (xrf1);
	(pc) =	sbr.rel @p0 .LBB2_9-.Ltmp5, $2  }
0x78: {  	_ =	sdelay $0x2  }
0x79: {  	s18 =	sadd.s32 $0x10, s18;
	s24 =	sadd.s32 s23, s19  }
0x7a: {  	_ =	sdelay $0x3  }
0x7b: {  	s18 =	sand.u32 $0x3D80, s24;
	s23 =	sand.u32 $0x70, s23;
	v9 =	vor.u32 s0, v2  }
0x7c: {  	s23 =	sor.u32 s23, s18;
	[tilespmem:v8+s4+$0x0] =	vst.idx.msk vm1, v9  }
0x7d: {  	v8 =	vld [tilespmem:s23+$0x0];
	_ =	sdelay $0x4  }
0x7e: {  	v8 =	vsub.s32 v8, v0  }
0x7f: {  	v8 =	vmin.u32 v8, $0x1000  }
0x80: {  	(xrf1) =	vunique.msk.u32 $0xffff, v8;
	_ =	sdelay $0xd  }
0x81: {  	_, v9, vm1 =	vpop (xrf1);
	_ =	sdelay $0x4  }
0x82: {  	v9 =	vor.u32 s24, v2  }
0x83: {  	[tilespmem:v8+s4+$0x0] =	vst.idx.msk vm1, v9  }
0x84: {  	s25 =	sadd.s32 s15, s8;
	_ =	swait.ge [sflag:s11], $0x8000  }
0x85: {  	s15 =	sadd.s32 $0x1000, s25;
	[sflag:s11] =	ssyncset.done $0x0  }
0x86: {  	s28 =	simm.s32 $0x0;
	s0 =	sadd.s32 s2, s15;
	[sflag:s11] =	ssyncadd.s32 $0xFFFF8000  }
0x87: {  	[tilespmem:s1], [sflag:$0x2] =	stream.linear.gather [hbm4b:s0+s28], $0x8000, $0x38;
	[tilespmem:$0x1D080] =	vst v63  }
0x88: {  	s0 =	sadd.s32 $0x0, s20  }
0x89: {  	s18 =	sand.u32 $0x70, s28;
	s30 =	sand.u32 $0x3F80, s0  }
0x8a: {  	s18 =	sor.u32 s18, s30  }
0x8b: {  	v8 =	vld [tilespmem:s18+$0x0];
	_ =	sdelay $0x4  }
0x8c: {  	v8 =	vsub.s32 v8, v0  }
0x8d: {  	v8 =	vmin.u32 v8, $0x1000  }
0x8e: {  	(xrf1) =	vunique.msk.u32 $0xffff, v8;
	_ =	sdelay $0xd  }
0x8f: {  	_, v9, vm1 =	vpop (xrf1);
	_ =	sdelay $0x3  }
0x90: {  	s23 =	simm.s32 $0x10;
	s24 =	sadd.s32 $0x10, s20;
	s18 =	simm.s32 $0x20  }
.LBB2_11:
0x91: {  	p0 =	sne.s32 s18, $0x1F0;
	s25 =	sand.u32 $0x3F80, s24;
	s23 =	sand.u32 $0x70, s23;
	v9 =	vor.u32 s0, v2  }
0x92: {  	s0 =	smov.u32 s24;
	s25 =	sor.u32 s23, s25;
	[tilespmem:v8+s4+$0x0] =	vst.idx.msk vm1, v9;
	s23 =	smov.u32 s18  }
0x93: {  	v8 =	vld [tilespmem:s25+$0x0];
	_ =	sdelay $0x4  }
0x94: {  	v8 =	vsub.s32 v8, v0  }
0x95: {  	v8 =	vmin.u32 v8, $0x1000  }
0x96: {  	(xrf1) =	vunique.msk.u32 $0xffff, v8;
	_ =	sdelay $0xd  }
.Ltmp6:
0x97: {  	_, v9, vm1 =	vpop (xrf1);
	(pc) =	sbr.rel @p0 .LBB2_11-.Ltmp6, $2  }
0x98: {  	_ =	sdelay $0x2  }
0x99: {  	s18 =	sadd.s32 $0x10, s18;
	s24 =	sadd.s32 s23, s20  }
0x9a: {  	_ =	sdelay $0x3  }
0x9b: {  	s18 =	sand.u32 $0x3F80, s24;
	s23 =	sand.u32 $0x70, s23;
	v9 =	vor.u32 s0, v2  }
0x9c: {  	s25 =	sor.u32 s23, s18;
	[tilespmem:v8+s4+$0x0] =	vst.idx.msk vm1, v9  }
0x9d: {  	v8 =	vld [tilespmem:s25+$0x0];
	_ =	sdelay $0x4  }
0x9e: {  	v8 =	vsub.s32 v8, v0  }
0x9f: {  	v8 =	vmin.u32 v8, $0x1000  }
0xa0: {  	(xrf1) =	vunique.msk.u32 $0xffff, v8;
	_ =	sdelay $0xd  }
0xa1: {  	_, v9, vm1 =	vpop (xrf1);
	_ =	sdelay $0x4  }
0xa2: {  	v9 =	vor.u32 s24, v2  }
0xa3: {  	[tilespmem:v8+s4+$0x0] =	vst.idx.msk vm1, v9  }
0xa4: {  	_ =	swait.ge [sflag:s5], $0x8000  }
0xa5: {  	s17 =	sadd.s32 $0x1, s17;
	[sflag:s5] =	ssyncset.done $0x0  }
0xa6: {  	s28 =	sadd.s32 s6, s21;
	p0 =	sne.s32 s17, $0x10;
	[sflag:s5] =	ssyncadd.s32 $0xFFFF8000  }
0xa7: {  	[hbm4b:s28+s7] =	stream.linear.scatter [tilespmem:s31], [sflag:$0x3], $0x8000, $0x38;
	[tilespmem:$0x1D080] =	vst v63  }
.Ltmp7:
0xa8: {  	_ = 	snop;
	(pc) =	sbr.rel @p0 .LBB2_8-.Ltmp7, $4  }
0xa9: {  	_ =	swait.ge [sflag:s9], $0x8000  }
0xaa: {  	s30 =	sadd.s32 s6, s15;
	[sflag:s9] =	ssyncset.done $0x0  }
0xab: {  	s19 =	sadd.s32 $0x400, s19;
	s20 =	sadd.s32 $0x400, s20;
	[sflag:s9] =	ssyncadd.s32 $0xFFFF8000  }
0xac: {  	[hbm4b:s30+s7] =	stream.linear.scatter [tilespmem:s1], [sflag:$0x4], $0x8000, $0x38;
	[tilespmem:$0x1D080] =	vst v63  }
0xad: {  	_ =	swait.ge [sflag:s10], $0x8000  }
0xae: {  	[sflag:s10] =	ssyncset.done $0x0  }
0xaf: {  	[sflag:s10] =	ssyncadd.s32 $0xFFFF8000  }
0xb0: {  	_ =	swait.ge [sflag:s11], $0x8000  }
0xb1: {  	[sflag:s11] =	ssyncset.done $0x0  }
0xb2: {  	s17 =	simm.s32 $0x0;
	s0 =	rddreg [dreg:$0xe];
	[sflag:s11] =	ssyncadd.s32 $0xFFFF8000  }
0xb3: {  	[tilespmem:s31], [sflag:$0x1] =	stream.linear.gather [hbm4b:s0+s17], $0x8000, $0x38;
	[tilespmem:$0x1D080] =	vst v63  }
0xb4: {  	s19 =	simm.s32 $0x4000;
	s30 =	rddreg [dreg:$0xf]  }
0xb5: {  	[tilespmem:s1], [sflag:$0x2] =	stream.linear.gather [hbm4b:s30+s17], $0x8000, $0x38;
	[tilespmem:$0x1D080] =	vst v63  }
0xb6: {  	v8 =	vld [tilespmem:s19+$0x0];
	_ =	sdelay $0x1  }
0xb7: {  	v9 =	vmov s17  }
0xb8: {  	v9 =	vshll.u32 v9, $0xE  }
0xb9: {  	v9 =	vor.u32 v4, v9  }
0xba: {  	vm1 =	vgt.s32 v8, $0xFFFFFFFF;
	v9 =	vor.u32 v9, v8  }
0xbb: {  	v10 =	vsel vm1, $0x1, v3;
	v9 =	vxor.u32 $0x80000000, v9  }
0xbc: {  	v9 =	vnsel vm1, $0x7FFFFFFF, v9;
	(xrf0) =	vadd.scan.msk.s32 $0xffff, v10  }
0xbd: {  	(xrf0) =	vmax.scan.msk.u32 $0xffff, v9;
	_ =	sdelay $0x1  }
0xbe: {  	v9 =	vmov s17  }
0xbf: {  	v9 =	vadd.s32 $0xFFFFFFFF, v9  }
0xc0: {  	v9 =	vbroadcast v9, $0x0  }
0xc1: {  	v10, _, _ =	vpop (xrf0)  }
0xc2: {  	(v2sf) =	vpush v10, $0xF;
	v11, _, _ =	vpop (xrf0);
	v9 =	vadd.s32 v10, v9  }
0xc3: {  	(v2sf) =	vpush v11, $0xF  }
0xc4: {  	s20 =	sadd.s32 $0x0, s22  }
0xc5: {  	s18 =	simm.s32 $0xFFFFFFFF;
	s15 =	simm.s32 $0x10;
	s0 =	simm.s32 $0x20;
	v10 =	vor.u32 s20, v2  }
.LBB2_14:
0xc6: {  	s20 =	smov.u32 s18  }
0xc7: {  	p0 =	sne.s32 s0, $0x1F0;
	[tilespmem:v9+s12+$0x0] =	vst.idx.msk vm1, v10  }
0xc8: {  	s19 =	sadd.s32 $0x10, s19;
	[tilespmem:v9+s13+$0x0] =	vst.idx.msk vm1, v8  }
0xc9: {  	v8 =	vld [tilespmem:s19+$0x0];
	_ =	sdelay $0x1  }
0xca: {  	v9 =	vmov s15  }
0xcb: {  	v9 =	vshll.u32 v9, $0xE  }
0xcc: {  	v9 =	vor.u32 v4, v9  }
0xcd: {  	vm1 =	vgt.s32 v8, $0xFFFFFFFF;
	v9 =	vor.u32 v9, v8  }
0xce: {  	v10 =	vsel vm1, $0x1, v3;
	v9 =	vxor.u32 $0x80000000, v9  }
0xcf: {  	v9 =	vnsel vm1, $0x7FFFFFFF, v9;
	(xrf0) =	vadd.scan.msk.s32 $0xffff, v10  }
0xd0: {  	(xrf0) =	vmax.scan.msk.u32 $0xffff, v9;
	s18 =	spop (v2sf)  }
0xd1: {  	s17 =	sadd.s32 s17, s18;
	s18 =	spop (v2sf)  }
0xd2: {  	v9 =	vmov s17;
	s18 =	sxor.u32 $0x80000000, s18  }
0xd3: {  	v9 =	vadd.s32 $0xFFFFFFFF, v9;
	p1 =	sgt.s32 s20, s18  }
0xd4: {  	v9 =	vbroadcast v9, $0x0;
	s18 =	smov.u32 @p1 s20  }
0xd5: {  	v10, _, _ =	vpop (xrf0)  }
.Ltmp8:
0xd6: {  	v9 =	vadd.s32 v10, v9;
	(v2sf) =	vpush v10, $0xF;
	v10, _, _ =	vpop (xrf0);
	(pc) =	sbr.rel @p0 .LBB2_14-.Ltmp8, $3  }
0xd7: {  	(v2sf) =	vpush v10, $0xF;
	_ =	sdelay $0x1  }
0xd8: {  	s20 =	sadd.s32 s15, s22;
	s15 =	smov.u32 s0  }
0xd9: {  	s0 =	sadd.s32 $0x10, s0;
	v10 =	vor.u32 s20, v2  }
0xda: {  	_ =	sdelay $0x4  }
0xdb: {  	[tilespmem:v9+s12+$0x0] =	vst.idx.msk vm1, v10  }
0xdc: {  	s0 =	sadd.s32 $0x10, s19;
	[tilespmem:v9+s13+$0x0] =	vst.idx.msk vm1, v8  }
0xdd: {  	v8 =	vld [tilespmem:s0+$0x0];
	_ =	sdelay $0x1  }
0xde: {  	v9 =	vmov s15  }
0xdf: {  	v9 =	vshll.u32 v9, $0xE  }
0xe0: {  	v9 =	vor.u32 v4, v9  }
0xe1: {  	vm1 =	vgt.s32 v8, $0xFFFFFFFF;
	v9 =	vor.u32 v9, v8  }
0xe2: {  	v10 =	vsel vm1, $0x1, v3;
	v9 =	vxor.u32 $0x80000000, v9  }
0xe3: {  	v9 =	vnsel vm1, $0x7FFFFFFF, v9;
	(xrf0) =	vadd.scan.msk.s32 $0xffff, v10  }
0xe4: {  	(xrf0) =	vmax.scan.msk.u32 $0xffff, v9;
	_ =	sdelay $0x4  }
0xe5: {  	v9, _, _ =	vpop (xrf0)  }
0xe6: {  	(v2sf) =	vpush v9, $0xF;
	v10, _, _ =	vpop (xrf0)  }
0xe7: {  	(v2sf) =	vpush v10, $0xF;
	_ =	sdelay $0x2  }
0xe8: {  	s24 =	spop (v2sf)  }
0xe9: {  	s0 =	sadd.s32 s17, s24  }
0xea: {  	v10 =	vmov s0  }
0xeb: {  	v10 =	vadd.s32 $0xFFFFFFFF, v10  }
0xec: {  	v10 =	vbroadcast v10, $0x0;
	_ =	sdelay $0x1  }
0xed: {  	v9 =	vadd.s32 v9, v10;
	_ =	sdelay $0x2  }
0xee: {  	s25 =	sadd.s32 s15, s22  }
0xef: {  	s28 =	spop (v2sf);
	v10 =	vor.u32 s25, v2  }
0xf0: {  	[tilespmem:v9+s12+$0x0] =	vst.idx.msk vm1, v10;
	s30 =	spop (v2sf)  }
0xf1: {  	[tilespmem:v9+s13+$0x0] =	vst.idx.msk vm1, v8;
	s20 =	spop (v2sf)  }
0xf2: {  	s21 =	simm.s32 $0x200;
	s15 =	simm.s32 $0x0;
	_ =	swait.ge [sflag:s5], $0x8000  }
0xf3: {  	s23 =	sand.u32 $0x380, s21;
	s24 =	sand.u32 $0x70, s15;
	[sflag:s5] =	ssyncset.done $0x0  }
0xf4: {  	s23 =	sor.u32 s24, s23;
	s2 =	rddreg [dreg:$0x11];
	[sflag:s5] =	ssyncadd.s32 $0xFFFF8000  }
0xf5: {  	[hbm4b:s2+s15] =	stream.linear.scatter [tilespmem:s31], [sflag:$0x3], $0x8000, $0x38;
	[tilespmem:$0x1D080] =	vst v63  }
0xf6: {  	v8 =	vld [tilespmem:s23+$0x4000];
	_ =	sdelay $0x1  }
0xf7: {  	v9 =	vmov s21  }
0xf8: {  	v9 =	vshll.u32 v9, $0xE  }
0xf9: {  	v9 =	vor.u32 v4, v9  }
0xfa: {  	vm1 =	vgt.s32 v8, $0xFFFFFFFF;
	v9 =	vor.u32 v9, v8  }
0xfb: {  	v10 =	vsel vm1, $0x1, v3;
	v9 =	vxor.u32 $0x80000000, v9  }
0xfc: {  	v9 =	vnsel vm1, $0x7FFFFFFF, v9;
	(xrf0) =	vadd.scan.msk.s32 $0xffff, v10  }
0xfd: {  	(xrf0) =	vmax.scan.msk.u32 $0xffff, v9;
	_ =	sdelay $0x1  }
0xfe: {  	s17 =	sadd.s32 s0, s30  }
0xff: {  	s0 =	sxor.u32 $0x80000000, s28;
	v9 =	vmov s17  }
0x100: {  	p0 =	sgt.s32 s18, s0;
	v9 =	vadd.s32 $0xFFFFFFFF, v9  }
0x101: {  	s19 =	sxor.u32 $0x80000000, s20;
	s0 =	smov.u32 @p0 s18;
	v9 =	vbroadcast v9, $0x0;
	v10, _, _ =	vpop (xrf0)  }
0x102: {  	p0 =	sgt.s32 s0, s19;
	(v2sf) =	vpush v10, $0xF;
	v11, _, _ =	vpop (xrf0)  }
0x103: {  	s18 =	simm.s32 $0x10;
	s19 =	smov.u32 @p0 s0;
	s0 =	simm.s32 $0x20;
	v9 =	vadd.s32 v10, v9;
	(v2sf) =	vpush v11, $0xF  }
.LBB2_16:
0x104: {  	s20 =	smov.u32 s19  }
0x105: {  	p0 =	sne.s32 s0, $0x1F0  }
0x106: {  	s19 =	sadd.s32 s15, s26;
	s15 =	smov.u32 s18;
	s18 =	smov.u32 s0  }
0x107: {  	s21 =	sadd.s32 $0x200, s15;
	v10 =	vor.u32 s19, v2  }
0x108: {  	s23 =	sand.u32 $0x70, s15;
	s19 =	sand.u32 $0x380, s21;
	[tilespmem:v9+s12+$0x0] =	vst.idx.msk vm1, v10  }
0x109: {  	s19 =	sor.u32 s23, s19;
	[tilespmem:v9+s13+$0x0] =	vst.idx.msk vm1, v8  }
0x10a: {  	v8 =	vld [tilespmem:s19+$0x4000];
	_ =	sdelay $0x1  }
0x10b: {  	v9 =	vmov s21  }
0x10c: {  	v9 =	vshll.u32 v9, $0xE  }
0x10d: {  	v9 =	vor.u32 v4, v9  }
0x10e: {  	vm1 =	vgt.s32 v8, $0xFFFFFFFF;
	v9 =	vor.u32 v9, v8  }
0x10f: {  	v10 =	vsel vm1, $0x1, v3;
	v9 =	vxor.u32 $0x80000000, v9  }
0x110: {  	v9 =	vnsel vm1, $0x7FFFFFFF, v9;
	(xrf0) =	vadd.scan.msk.s32 $0xffff, v10  }
0x111: {  	(xrf0) =	vmax.scan.msk.u32 $0xffff, v9;
	s19 =	spop (v2sf)  }
0x112: {  	s17 =	sadd.s32 s17, s19;
	s19 =	spop (v2sf)  }
0x113: {  	v9 =	vmov s17;
	s19 =	sxor.u32 $0x80000000, s19  }
.Ltmp9:
0x114: {  	v9 =	vadd.s32 $0xFFFFFFFF, v9;
	p1 =	sgt.s32 s20, s19;
	(pc) =	sbr.rel @p0 .LBB2_16-.Ltmp9, $4  }
0x115: {  	v9 =	vbroadcast v9, $0x0;
	s19 =	smov.u32 @p1 s20  }
0x116: {  	v10, _, _ =	vpop (xrf0)  }
0x117: {  	v9 =	vadd.s32 v10, v9;
	(v2sf) =	vpush v10, $0xF;
	v10, _, _ =	vpop (xrf0)  }
0x118: {  	s0 =	sadd.s32 $0x10, s0;
	(v2sf) =	vpush v10, $0xF  }
0x119: {  	_ =	sdelay $0x2  }
0x11a: {  	s0 =	sadd.s32 s15, s26  }
0x11b: {  	s8 =	sadd.s32 $0x200, s18;
	v10 =	vor.u32 s0, v2  }
0x11c: {  	s20 =	sand.u32 $0x70, s18;
	s21 =	sand.u32 $0x380, s8;
	[tilespmem:v9+s12+$0x0] =	vst.idx.msk vm1, v10  }
0x11d: {  	s0 =	sor.u32 s20, s21;
	[tilespmem:v9+s13+$0x0] =	vst.idx.msk vm1, v8  }
0x11e: {  	v8 =	vld [tilespmem:s0+$0x4000];
	_ =	sdelay $0x1  }
0x11f: {  	v58 =	vmov s8  }
0x120: {  	v9 =	vshll.u32 v58, $0xE  }
0x121: {  	v9 =	vor.u32 v4, v9  }
0x122: {  	vm1 =	vgt.s32 v8, $0xFFFFFFFF;
	v9 =	vor.u32 v9, v8  }
0x123: {  	v59 =	vsel vm1, $0x1, v3;
	v9 =	vxor.u32 $0x80000000, v9  }
0x124: {  	v9 =	vnsel vm1, $0x7FFFFFFF, v9;
	(xrf0) =	vadd.scan.msk.s32 $0xffff, v59  }
0x125: {  	(xrf0) =	vmax.scan.msk.u32 $0xffff, v9;
	_ =	sdelay $0x4  }
0x126: {  	v60, _, _ =	vpop (xrf0)  }
0x127: {  	(v2sf) =	vpush v60, $0xF;
	v61, _, _ =	vpop (xrf0)  }
0x128: {  	(v2sf) =	vpush v61, $0xF;
	_ =	sdelay $0x2  }
0x129: {  	s23 =	spop (v2sf)  }
0x12a: {  	s0 =	sadd.s32 s17, s23  }
0x12b: {  	v62 =	vmov s0  }
0x12c: {  	v10 =	vadd.s32 $0xFFFFFFFF, v62  }
0x12d: {  	v10 =	vbroadcast v10, $0x0;
	_ =	sdelay $0x1  }
0x12e: {  	v9 =	vadd.s32 v60, v10;
	_ =	sdelay $0x2  }
0x12f: {  	s24 =	sadd.s32 s18, s26;
	s25 =	spop (v2sf)  }
0x130: {  	v63 =	vor.u32 s24, v2;
	s18 =	sxor.u32 $0x80000000, s25  }
0x131: {  	s20 =	simm.s32 $0x0;
	p0 =	sgt.s32 s19, s18;
	[tilespmem:v9+s12+$0x0] =	vst.idx.msk vm1, v63;
	s28 =	spop (v2sf)  }
0x132: {  	s17 =	simm.s32 $0x0;
	s18 =	smov.u32 @p0 s19;
	[tilespmem:v9+s13+$0x0] =	vst.idx.msk vm1, v8;
	s30 =	spop (v2sf)  }
0x133: {  	s19 =	simm.s32 $0x1;
	_ =	swait.ge [sflag:s9], $0x8000;
	s23 =	sxor.u32 $0x80000000, s30  }
0x134: {  	s24 =	sadd.s32 s0, s28;
	[sflag:s9] =	ssyncset.done $0x0;
	p0 =	sgt.s32 s18, s23  }
0x135: {  	s2 =	rddreg [dreg:$0x12];
	[sflag:s9] =	ssyncadd.s32 $0xFFFF8000;
	s23 =	smov.u32 @p0 s18  }
0x136: {  	[hbm4b:s2+s17] =	stream.linear.scatter [tilespmem:s1], [sflag:$0x4], $0x8000, $0x38;
	[tilespmem:$0x1D080] =	vst v63  }
.LBB2_18:
0x137: {  	s21 =	sshll.u32 s19, $0x8  }
0x138: {  	_ =	swait.ge [sflag:s10], $0x8000;
	s0 =	sadd.s32 s14, s21  }
0x139: {  	[sflag:s10] =	ssyncset.done $0x0;
	s0 =	sshll.u32 s0, $0x5  }
0x13a: {  	s28 =	sadd.s32 $0x0, s20;
	[sflag:s10] =	ssyncadd.s32 $0xFFFF8000;
	s0 =	sadd.s32 s29, s0  }
0x13b: {  	[tilespmem:s31], [sflag:$0x1] =	stream.linear.gather [hbm4b:s0+s17], $0x8000, $0x38;
	[tilespmem:$0x1D080] =	vst v63  }
0x13c: {  	s0 =	sadd.s32 $0x400, s28  }
0x13d: {  	s18 =	sand.u32 $0x70, s17;
	s15 =	sand.u32 $0xD80, s0  }
0x13e: {  	s15 =	sor.u32 s18, s15  }
0x13f: {  	v8 =	vld [tilespmem:s15+$0x4000];
	_ =	sdelay $0x1  }
0x140: {  	v9 =	vmov s0  }
0x141: {  	v9 =	vshll.u32 v9, $0xE  }
0x142: {  	v9 =	vor.u32 v4, v9  }
0x143: {  	vm1 =	vgt.s32 v8, $0xFFFFFFFF;
	v9 =	vor.u32 v9, v8  }
0x144: {  	v10 =	vsel vm1, $0x1, v3;
	v9 =	vxor.u32 $0x80000000, v9  }
0x145: {  	v9 =	vnsel vm1, $0x7FFFFFFF, v9;
	(xrf0) =	vadd.scan.msk.s32 $0xffff, v10  }
0x146: {  	(xrf0) =	vmax.scan.msk.u32 $0xffff, v9;
	_ =	sdelay $0x1  }
0x147: {  	v9 =	vmov s24  }
0x148: {  	v9 =	vadd.s32 $0xFFFFFFFF, v9  }
0x149: {  	s30 =	rddreg [dreg:$0x17];
	v9 =	vbroadcast v9, $0x0  }
0x14a: {  	s25 =	sadd.s32 s20, s30;
	v10, _, _ =	vpop (xrf0)  }
0x14b: {  	s0 =	simm.s32 $0x0;
	s18 =	simm.s32 $0x20;
	s15 =	simm.s32 $0x10;
	v9 =	vadd.s32 v10, v9;
	(v2sf) =	vpush v10, $0xF;
	v10, _, _ =	vpop (xrf0)  }
.LBB2_19:
0x14c: {  	s30 =	smov.u32 s23  }
0x14d: {  	p0 =	sne.s32 s18, $0x1F0;
	(v2sf) =	vpush v10, $0xF;
	_ =	sdelay $0x1  }
0x14e: {  	s23 =	sadd.s32 s15, s20;
	s2 =	sadd.s32 s0, s25;
	s0 =	smov.u32 s15  }
0x14f: {  	s15 =	smov.u32 s18;
	s23 =	sadd.s32 $0x400, s23;
	v10 =	vor.u32 s2, v2  }
0x150: {  	s28 =	sand.u32 $0x70, s0;
	s2 =	sand.u32 $0xD80, s23;
	[tilespmem:v9+s12+$0x0] =	vst.idx.msk vm1, v10  }
0x151: {  	s2 =	sor.u32 s28, s2;
	[tilespmem:v9+s13+$0x0] =	vst.idx.msk vm1, v8  }
0x152: {  	v8 =	vld [tilespmem:s2+$0x4000];
	_ =	sdelay $0x1  }
0x153: {  	v9 =	vmov s23  }
0x154: {  	v9 =	vshll.u32 v9, $0xE  }
0x155: {  	v9 =	vor.u32 v4, v9  }
0x156: {  	vm1 =	vgt.s32 v8, $0xFFFFFFFF;
	v9 =	vor.u32 v9, v8  }
0x157: {  	v10 =	vsel vm1, $0x1, v3;
	v9 =	vxor.u32 $0x80000000, v9  }
0x158: {  	v9 =	vnsel vm1, $0x7FFFFFFF, v9;
	(xrf0) =	vadd.scan.msk.s32 $0xffff, v10  }
0x159: {  	(xrf0) =	vmax.scan.msk.u32 $0xffff, v9;
	s2 =	spop (v2sf)  }
0x15a: {  	s24 =	sadd.s32 s24, s2;
	s2 =	spop (v2sf)  }
.Ltmp10:
0x15b: {  	v9 =	vmov s24;
	s23 =	sxor.u32 $0x80000000, s2;
	(pc) =	sbr.rel @p0 .LBB2_19-.Ltmp10, $4  }
0x15c: {  	v9 =	vadd.s32 $0xFFFFFFFF, v9;
	p1 =	sgt.s32 s30, s23  }
0x15d: {  	v9 =	vbroadcast v9, $0x0;
	s23 =	smov.u32 @p1 s30  }
0x15e: {  	v10, _, _ =	vpop (xrf0)  }
0x15f: {  	s18 =	sadd.s32 $0x10, s18;
	v9 =	vadd.s32 v10, v9;
	(v2sf) =	vpush v10, $0xF;
	v10, _, _ =	vpop (xrf0)  }
0x160: {  	_ =	sdelay $0x2  }
0x161: {  	s2 =	sadd.s32 s15, s20;
	s0 =	sadd.s32 s0, s25  }
0x162: {  	s2 =	sadd.s32 $0x400, s2;
	v11 =	vor.u32 s0, v2  }
0x163: {  	s18 =	sand.u32 $0x70, s15;
	s8 =	sand.u32 $0xD80, s2;
	[tilespmem:v9+s12+$0x0] =	vst.idx.msk vm1, v11  }
0x164: {  	s0 =	sor.u32 s18, s8;
	[tilespmem:v9+s13+$0x0] =	vst.idx.msk vm1, v8  }
0x165: {  	v8 =	vld [tilespmem:s0+$0x4000];
	_ =	sdelay $0x1  }
0x166: {  	v9 =	vmov s2  }
0x167: {  	v9 =	vshll.u32 v9, $0xE  }
0x168: {  	v9 =	vor.u32 v4, v9  }
0x169: {  	vm1 =	vgt.s32 v8, $0xFFFFFFFF;
	v9 =	vor.u32 v9, v8  }
0x16a: {  	v11 =	vsel vm1, $0x1, v3;
	v9 =	vxor.u32 $0x80000000, v9  }
0x16b: {  	(xrf0) =	vadd.scan.msk.s32 $0xffff, v11;
	v9 =	vnsel vm1, $0x7FFFFFFF, v9  }
0x16c: {  	(xrf0) =	vmax.scan.msk.u32 $0xffff, v9;
	_ =	sdelay $0x4  }
0x16d: {  	(v2sf) =	vpush v10, $0xF;
	v9, _, _ =	vpop (xrf0)  }
0x16e: {  	(v2sf) =	vpush v9, $0xF;
	v10, _, _ =	vpop (xrf0)  }
0x16f: {  	(v2sf) =	vpush v10, $0xF;
	_ =	sdelay $0x2  }
0x170: {  	s18 =	spop (v2sf)  }
0x171: {  	s0 =	sadd.s32 s24, s18  }
0x172: {  	v10 =	vmov s0  }
0x173: {  	v10 =	vadd.s32 $0xFFFFFFFF, v10  }
0x174: {  	v10 =	vbroadcast v10, $0x0;
	_ =	sdelay $0x1  }
0x175: {  	v9 =	vadd.s32 v9, v10;
	_ =	sdelay $0x2  }
0x176: {  	s24 =	sadd.s32 s15, s25  }
0x177: {  	s18 =	spop (v2sf);
	v10 =	vor.u32 s24, v2  }
0x178: {  	[tilespmem:v9+s12+$0x0] =	vst.idx.msk vm1, v10;
	s2 =	spop (v2sf)  }
0x179: {  	s24 =	sor.u32 $0x80, s21;
	[tilespmem:v9+s13+$0x0] =	vst.idx.msk vm1, v8;
	s28 =	spop (v2sf)  }
0x17a: {  	s25 =	sadd.s32 s14, s24;
	_ =	swait.ge [sflag:s11], $0x8000  }
0x17b: {  	s8 =	smov.u32 s29;
	s15 =	sshll.u32 s25, $0x5;
	[sflag:s11] =	ssyncset.done $0x0  }
0x17c: {  	s29 =	sadd.s32 s29, s15;
	s15 =	simm.s32 $0x0;
	[sflag:s11] =	ssyncadd.s32 $0xFFFF8000  }
0x17d: {  	[tilespmem:s1], [sflag:$0x2] =	stream.linear.gather [hbm4b:s29+s15], $0x8000, $0x38;
	[tilespmem:$0x1D080] =	vst v63  }
0x17e: {  	s29 =	sadd.s32 $0x0, s20  }
0x17f: {  	s25 =	sadd.s32 $0x600, s29  }
0x180: {  	s29 =	sand.u32 $0x70, s15;
	s30 =	sand.u32 $0xF80, s25  }
0x181: {  	s29 =	sor.u32 s29, s30  }
0x182: {  	v8 =	vld [tilespmem:s29+$0x4000];
	_ =	sdelay $0x1  }
0x183: {  	v9 =	vmov s25  }
0x184: {  	v9 =	vshll.u32 v9, $0xE  }
0x185: {  	v9 =	vor.u32 v4, v9  }
0x186: {  	vm1 =	vgt.s32 v8, $0xFFFFFFFF;
	v9 =	vor.u32 v9, v8  }
0x187: {  	v10 =	vsel vm1, $0x1, v3;
	v9 =	vxor.u32 $0x80000000, v9  }
0x188: {  	v9 =	vnsel vm1, $0x7FFFFFFF, v9;
	(xrf0) =	vadd.scan.msk.s32 $0xffff, v10  }
0x189: {  	(xrf0) =	vmax.scan.msk.u32 $0xffff, v9  }
0x18a: {  	s25 =	sadd.s32 s0, s2  }
0x18b: {  	s18 =	sxor.u32 $0x80000000, s18;
	v9 =	vmov s25  }
0x18c: {  	p0 =	sgt.s32 s23, s18;
	v9 =	vadd.s32 $0xFFFFFFFF, v9  }
0x18d: {  	s18 =	smov.u32 @p0 s23;
	s30 =	sxor.u32 $0x80000000, s28;
	v9 =	vbroadcast v9, $0x0  }
0x18e: {  	s0 =	simm.s32 $0x20;
	p0 =	sgt.s32 s18, s30;
	s29 =	rddreg [dreg:$0x18];
	v10, _, _ =	vpop (xrf0)  }
0x18f: {  	s30 =	smov.u32 @p0 s18;
	s23 =	sadd.s32 s20, s29;
	s18 =	simm.s32 $0x10;
	v9 =	vadd.s32 v10, v9;
	(v2sf) =	vpush v10, $0xF;
	v10, _, _ =	vpop (xrf0)  }
.LBB2_21:
0x190: {  	s2 =	smov.u32 s30  }
0x191: {  	p0 =	sne.s32 s0, $0x1F0;
	(v2sf) =	vpush v10, $0xF;
	_ =	sdelay $0x1  }
0x192: {  	s28 =	sadd.s32 s18, s20;
	s29 =	sadd.s32 s15, s23;
	s15 =	smov.u32 s18  }
0x193: {  	s18 =	smov.u32 s0;
	s28 =	sadd.s32 $0x600, s28;
	v10 =	vor.u32 s29, v2  }
0x194: {  	s30 =	sand.u32 $0x70, s15;
	s29 =	sand.u32 $0xF80, s28;
	[tilespmem:v9+s12+$0x0] =	vst.idx.msk vm1, v10  }
0x195: {  	s29 =	sor.u32 s30, s29;
	[tilespmem:v9+s13+$0x0] =	vst.idx.msk vm1, v8  }
0x196: {  	v8 =	vld [tilespmem:s29+$0x4000];
	_ =	sdelay $0x1  }
0x197: {  	v9 =	vmov s28  }
0x198: {  	v9 =	vshll.u32 v9, $0xE  }
0x199: {  	v9 =	vor.u32 v4, v9  }
0x19a: {  	vm1 =	vgt.s32 v8, $0xFFFFFFFF;
	v9 =	vor.u32 v9, v8  }
0x19b: {  	v10 =	vsel vm1, $0x1, v3;
	v9 =	vxor.u32 $0x80000000, v9  }
0x19c: {  	v9 =	vnsel vm1, $0x7FFFFFFF, v9;
	(xrf0) =	vadd.scan.msk.s32 $0xffff, v10  }
0x19d: {  	(xrf0) =	vmax.scan.msk.u32 $0xffff, v9;
	s28 =	spop (v2sf)  }
0x19e: {  	s25 =	sadd.s32 s25, s28;
	s28 =	spop (v2sf)  }
.Ltmp11:
0x19f: {  	v9 =	vmov s25;
	s30 =	sxor.u32 $0x80000000, s28;
	(pc) =	sbr.rel @p0 .LBB2_21-.Ltmp11, $4  }
0x1a0: {  	v9 =	vadd.s32 $0xFFFFFFFF, v9;
	p1 =	sgt.s32 s2, s30  }
0x1a1: {  	v9 =	vbroadcast v9, $0x0;
	s30 =	smov.u32 @p1 s2  }
0x1a2: {  	v10, _, _ =	vpop (xrf0)  }
0x1a3: {  	s0 =	sadd.s32 $0x10, s0;
	v9 =	vadd.s32 v10, v9;
	(v2sf) =	vpush v10, $0xF;
	v10, _, _ =	vpop (xrf0)  }
0x1a4: {  	_ =	sdelay $0x2  }
0x1a5: {  	s0 =	sadd.s32 s18, s20;
	s2 =	sadd.s32 s15, s23  }
0x1a6: {  	s0 =	sadd.s32 $0x600, s0;
	v11 =	vor.u32 s2, v2  }
0x1a7: {  	s28 =	sand.u32 $0x70, s18;
	s15 =	sand.u32 $0xF80, s0;
	[tilespmem:v9+s12+$0x0] =	vst.idx.msk vm1, v11  }
0x1a8: {  	s2 =	sor.u32 s28, s15;
	[tilespmem:v9+s13+$0x0] =	vst.idx.msk vm1, v8  }
0x1a9: {  	v8 =	vld [tilespmem:s2+$0x4000];
	_ =	sdelay $0x1  }
0x1aa: {  	v58 =	vmov s0  }
0x1ab: {  	v9 =	vshll.u32 v58, $0xE  }
0x1ac: {  	v9 =	vor.u32 v4, v9  }
0x1ad: {  	vm1 =	vgt.s32 v8, $0xFFFFFFFF;
	v9 =	vor.u32 v9, v8  }
0x1ae: {  	v59 =	vsel vm1, $0x1, v3;
	v9 =	vxor.u32 $0x80000000, v9  }
0x1af: {  	(xrf0) =	vadd.scan.msk.s32 $0xffff, v59;
	v9 =	vnsel vm1, $0x7FFFFFFF, v9  }
0x1b0: {  	(xrf0) =	vmax.scan.msk.u32 $0xffff, v9;
	_ =	sdelay $0x4  }
0x1b1: {  	(v2sf) =	vpush v10, $0xF;
	v60, _, _ =	vpop (xrf0)  }
0x1b2: {  	(v2sf) =	vpush v60, $0xF;
	v61, _, _ =	vpop (xrf0)  }
0x1b3: {  	(v2sf) =	vpush v61, $0xF;
	_ =	sdelay $0x2  }
0x1b4: {  	s15 =	spop (v2sf)  }
0x1b5: {  	s0 =	sadd.s32 s25, s15  }
0x1b6: {  	v62 =	vmov s0  }
0x1b7: {  	v10 =	vadd.s32 $0xFFFFFFFF, v62  }
0x1b8: {  	v10 =	vbroadcast v10, $0x0;
	_ =	sdelay $0x1  }
0x1b9: {  	v9 =	vadd.s32 v60, v10;
	_ =	sdelay $0x2  }
0x1ba: {  	s18 =	sadd.s32 s18, s23  }
0x1bb: {  	v63 =	vor.u32 s18, v2;
	s23 =	spop (v2sf)  }
0x1bc: {  	s21 =	sadd.s32 s16, s21;
	[tilespmem:v9+s12+$0x0] =	vst.idx.msk vm1, v63;
	s2 =	spop (v2sf)  }
0x1bd: {  	s19 =	sadd.s32 $0x1, s19;
	s20 =	sadd.s32 $0x400, s20;
	[tilespmem:v9+s13+$0x0] =	vst.idx.msk vm1, v8;
	s25 =	spop (v2sf)  }
0x1be: {  	s29 =	smov.u32 s8;
	s21 =	sshll.u32 s21, $0x5;
	_ =	swait.ge [sflag:s5], $0x8000  }
0x1bf: {  	p1 =	sne.s32 s19, $0x4;
	s15 =	sxor.u32 $0x80000000, s23;
	[sflag:s5] =	ssyncset.done $0x0  }
0x1c0: {  	s21 =	sadd.s32 s6, s21;
	p0 =	sgt.s32 s30, s15;
	[sflag:s5] =	ssyncadd.s32 $0xFFFF8000  }
0x1c1: {  	[hbm4b:s21+s7] =	stream.linear.scatter [tilespmem:s31], [sflag:$0x3], $0x8000, $0x38;
	[tilespmem:$0x1D080] =	vst v63  }
.Ltmp12:
0x1c2: {  	s28 =	sadd.s32 s16, s24;
	s15 =	smov.u32 @p0 s30;
	(pc) =	sbr.rel @p1 .LBB2_18-.Ltmp12, $4  }
0x1c3: {  	s24 =	sadd.s32 s0, s2;
	s23 =	sxor.u32 $0x80000000, s25;
	_ =	swait.ge [sflag:s9], $0x8000  }
0x1c4: {  	p0 =	sgt.s32 s15, s23;
	s21 =	sshll.u32 s28, $0x5;
	[sflag:s9] =	ssyncset.done $0x0  }
0x1c5: {  	s23 =	smov.u32 @p0 s15;
	s21 =	sadd.s32 s6, s21;
	[sflag:s9] =	ssyncadd.s32 $0xFFFF8000  }
0x1c6: {  	[hbm4b:s21+s7] =	stream.linear.scatter [tilespmem:s1], [sflag:$0x4], $0x8000, $0x38;
	[tilespmem:$0x1D080] =	vst v63  }
0x1c7: {  	_ =	swait.ge [sflag:s10], $0x8000  }
0x1c8: {  	[sflag:s10] =	ssyncset.done $0x0  }
0x1c9: {  	[sflag:s10] =	ssyncadd.s32 $0xFFFF8000  }
0x1ca: {  	_ =	swait.ge [sflag:s11], $0x8000  }
0x1cb: {  	[sflag:s11] =	ssyncset.done $0x0  }
0x1cc: {  	s0 =	rddreg [dreg:$0x10];
	[sflag:s11] =	ssyncadd.s32 $0xFFFF8000  }
0x1cd: {  	[tilespmem:s31], [sflag:$0x1] =	stream.linear.gather [hbm4b:s0+s7], $0x8000, $0x38;
	[tilespmem:$0x1D080] =	vst v63  }
0x1ce: {  	s25 =	rddreg [dreg:$0x13]  }
0x1cf: {  	[tilespmem:s1], [sflag:$0x2] =	stream.linear.gather [hbm4b:s25+s7], $0x8000, $0x38;
	[tilespmem:$0x1D080] =	vst v63  }
0x1d0: {  	_ =	swait.ge [sflag:s5], $0x8000  }
0x1d1: {  	[sflag:s5] =	ssyncset.done $0x0  }
0x1d2: {  	s28 =	rddreg [dreg:$0x14];
	[sflag:s5] =	ssyncadd.s32 $0xFFFF8000  }
0x1d3: {  	[hbm4b:s28+s7] =	stream.linear.scatter [tilespmem:s31], [sflag:$0x3], $0x8000, $0x38;
	[tilespmem:$0x1D080] =	vst v63  }
0x1d4: {  	s0 =	sadd.s32 $0xFF, s24;
	_ =	swait.ge [sflag:s9], $0x8000  }
0x1d5: {  	s17 =	sshra.s32 s24, $0x4;
	s15 =	sand.u32 $0xFFFFFF00, s0;
	[sflag:s9] =	ssyncset.done $0x0  }
0x1d6: {  	s18 =	sshra.s32 s15, $0x4;
	s30 =	rddreg [dreg:$0x15];
	[sflag:s9] =	ssyncadd.s32 $0xFFFF8000  }
0x1d7: {  	[hbm4b:s30+s7] =	stream.linear.scatter [tilespmem:s1], [sflag:$0x4], $0x8000, $0x38;
	[tilespmem:$0x1D080] =	vst v63  }
0x1d8: {  	p0 =	sle.s32 s18, s17;
	_ =	swait.ge [sflag:s10], $0x8000  }
.Ltmp13:
0x1d9: {  	[sflag:s10] =	ssyncset.done $0x0;
	(pc) =	sbr.rel @p0 .LBB2_27-.Ltmp13, $4  }
0x1da: {  	[sflag:s10] =	ssyncadd.s32 $0xFFFF8000  }
0x1db: {  	_ =	swait.ge [sflag:s11], $0x8000  }
0x1dc: {  	[sflag:s11] =	ssyncset.done $0x0  }
0x1dd: {  	s8 =	rddreg [dreg:$0x8];
	[sflag:s11] =	ssyncadd.s32 $0xFFFF8000  }
0x1de: {  	s28 =	ssub.s32 s18, s17;
	s30 =	sshll.u32 s17, $0x4  }
0x1df: {  	v10 =	vmov s24;
	v11 =	vmov s15;
	v12 =	vor.u32 s30, v2;
	p0 =	seq.s32 s28, $0x1  }
.Ltmp14:
0x1e0: {  	vm1 =	vge.s32 v12, v10;
	vm2 =	vlt.s32 v12, v11;
	(pc) =	sbr.rel @p0 .LBB2_26-.Ltmp14, $4  }
0x1e1: {  	vm1 =	vmand vm1, vm2  }
0x1e2: {  	s2 =	sshra.s32 s23, $0xE;
	s19 =	rddreg [dreg:$0x9];
	vm2 =	vmmov vm1  }
0x1e3: {  	s25 =	sand.u32 $0x3FFF, s23;
	s2 =	sadd.s32 s19, s2  }
0x1e4: {  	v9 =	vmov s25;
	s15 =	sadd.s32 $0xFFFFFFFF, s28;
	s17 =	sadd.s32 $0x10, s30;
	v8 =	vmov s2  }
.LBB2_25:
0x1e5: {  	v13 =	vor.u32 s17, v2;
	p0 =	seq.s32 s15, $0x1  }
.Ltmp15:
0x1e6: {  	s15 =	sadd.s32 $0xFFFFFFFF, s15;
	vm3 =	vge.s32 v13, v10;
	vm4 =	vlt.s32 v13, v11;
	(pc) =	sbr.rel @!p0 .LBB2_25-.Ltmp15, $3  }
0x1e7: {  	[tilespmem:v12+s12+$0x0] =	vst.idx.msk vm1, v8;
	vm1 =	vmand vm3, vm4  }
0x1e8: {  	[tilespmem:v12+s13+$0x0] =	vst.idx.msk vm2, v9;
	v12 =	vmov v13;
	vm2 =	vmmov vm1;
	_ =	sdelay $0x1  }
0x1e9: {  	s17 =	sadd.s32 $0x10, s17  }
.LBB2_26:
0x1ea: {  	_ =	sdelay $0x4  }
0x1eb: {  	[tilespmem:v12+s12+$0x0] =	vst.idx.msk vm1, v8  }
0x1ec: {  	[tilespmem:v12+s13+$0x0] =	vst.idx.msk vm2, v9  }
.LBB2_27:
0x1ed: {  	s0 =	sshra.s32 s0, $0x8  }
0x1ee: {  	p0 =	slt.s32 s0, $0x1  }
.Ltmp16:
0x1ef: {  	_ = 	snop;
	(pc) =	sbr.rel @p0 .LBB2_31-.Ltmp16, $3  }
0x1f0: {  	_ =	sdelay $0x1  }
0x1f1: {  	s2 =	rddreg [dreg:$0x0]  }
0x1f2: {  	s15 =	rddreg [dreg:$0x1b]  }
0x1f3: {  	s0 =	ssub.s32 $0x0, s0;
	s17 =	simm.s32 $0x0  }
0x1f4: {  	s19 =	simm.s32 $0x5100;
	s20 =	simm.s32 $0x9100;
	[dreg:$0x7] =	wrdreg s0  }
.LBB2_29:
0x1f5: {  	p0 =	seq.s32 s17, $0x0  }
0x1f6: {  	s0 =	simm.s32 @!p0 $0x3  }
0x1f7: {  	_ =	swait.ge @!p0 [sflag:s0], $0x8000  }
0x1f8: {  	[sflag:s0] =	ssyncset.done @!p0 $0x0  }
0x1f9: {  	[sflag:s0] =	ssyncadd.s32 @!p0 $0xFFFF8000  }
0x1fa: {  	v8 =	vld [tilespmem:s20+$0xFFFFFF80];
	_ =	sdelay $0x4  }
0x1fb: {  	v9 =	vshll.u32 v8, $0x1  }
0x1fc: {  	v8 =	vand.u32 $0x7, v8;
	v9 =	vand.u32 $0xFFFFFFF0, v9  }
0x1fd: {  	v8 =	vor.u32 v8, v9  }
0x1fe: {  	v9 =	vperm.xlane v8, v5;
	_ =	sdelay $0x1  }
0x1ff: {  	v8 =	vperm.xlane v8, v7;
	v9 =	vadd.s32 v6, v9;
	_ =	sdelay $0x1  }
0x200: {  	v8 =	vadd.s32 v6, v8;
	_ =	sdelay $0x2  }
0x201: {  	[tilespmem:s31], [sflag:$0x1] =	stream.indirect_vreg.gather [hbm4b:s3+s7], $0x80, v9, vm0, $0xb8;
	[tilespmem:$0x1D080] =	vst v63  }
0x202: {  	s9 =	simm.s32 $0xD880  }
0x203: {  	[tilespmem:s9], [sflag:$0x1] =	stream.indirect_vreg.gather [hbm4b:s3+s7], $0x80, v8, vm0, $0xb8;
	[tilespmem:$0x1D080] =	vst v63  }
0x204: {  	v8 =	vld [tilespmem:s20+$0xFFFFFF90];
	_ =	sdelay $0x4  }
0x205: {  	v33 =	vshll.u32 v8, $0x1  }
0x206: {  	v8 =	vand.u32 $0x7, v8;
	v9 =	vand.u32 $0xFFFFFFF0, v33  }
0x207: {  	v8 =	vor.u32 v8, v9  }
0x208: {  	v9 =	vperm.xlane v8, v5;
	_ =	sdelay $0x1  }
0x209: {  	v8 =	vperm.xlane v8, v7;
	v9 =	vadd.s32 v6, v9;
	_ =	sdelay $0x1  }
0x20a: {  	v8 =	vadd.s32 v6, v8;
	_ =	sdelay $0x1  }
0x20b: {  	s10 =	simm.s32 $0xE080  }
0x20c: {  	[tilespmem:s10], [sflag:$0x1] =	stream.indirect_vreg.gather [hbm4b:s3+s7], $0x80, v9, vm0, $0xb8;
	[tilespmem:$0x1D080] =	vst v63  }
0x20d: {  	s11 =	simm.s32 $0xE880  }
0x20e: {  	[tilespmem:s11], [sflag:$0x1] =	stream.indirect_vreg.gather [hbm4b:s3+s7], $0x80, v8, vm0, $0xb8;
	[tilespmem:$0x1D080] =	vst v63  }
0x20f: {  	v8 =	vld [tilespmem:s20+$0xFFFFFFA0];
	_ =	sdelay $0x4  }
0x210: {  	v34 =	vshll.u32 v8, $0x1  }
0x211: {  	v8 =	vand.u32 $0x7, v8;
	v9 =	vand.u32 $0xFFFFFFF0, v34  }
0x212: {  	v8 =	vor.u32 v8, v9  }
0x213: {  	v9 =	vperm.xlane v8, v5;
	_ =	sdelay $0x1  }
0x214: {  	v8 =	vperm.xlane v8, v7;
	v9 =	vadd.s32 v6, v9;
	_ =	sdelay $0x1  }
0x215: {  	v8 =	vadd.s32 v6, v8;
	_ =	sdelay $0x1  }
0x216: {  	s14 =	simm.s32 $0xF080  }
0x217: {  	[tilespmem:s14], [sflag:$0x1] =	stream.indirect_vreg.gather [hbm4b:s3+s7], $0x80, v9, vm0, $0xb8;
	[tilespmem:$0x1D080] =	vst v63  }
0x218: {  	s15 =	simm.s32 $0xF880  }
0x219: {  	[tilespmem:s15], [sflag:$0x1] =	stream.indirect_vreg.gather [hbm4b:s3+s7], $0x80, v8, vm0, $0xb8;
	[tilespmem:$0x1D080] =	vst v63  }
0x21a: {  	v8 =	vld [tilespmem:s20+$0xFFFFFFB0];
	_ =	sdelay $0x4  }
0x21b: {  	v35 =	vshll.u32 v8, $0x1  }
0x21c: {  	v8 =	vand.u32 $0x7, v8;
	v9 =	vand.u32 $0xFFFFFFF0, v35  }
0x21d: {  	v8 =	vor.u32 v8, v9  }
0x21e: {  	v9 =	vperm.xlane v8, v5;
	_ =	sdelay $0x1  }
0x21f: {  	v8 =	vperm.xlane v8, v7;
	v9 =	vadd.s32 v6, v9;
	_ =	sdelay $0x1  }
0x220: {  	v8 =	vadd.s32 v6, v8;
	_ =	sdelay $0x1  }
0x221: {  	s28 =	simm.s32 $0x10080  }
0x222: {  	[tilespmem:s28], [sflag:$0x1] =	stream.indirect_vreg.gather [hbm4b:s3+s7], $0x80, v9, vm0, $0xb8;
	[tilespmem:$0x1D080] =	vst v63  }
0x223: {  	s16 =	simm.s32 $0x10880  }
0x224: {  	[tilespmem:s16], [sflag:$0x1] =	stream.indirect_vreg.gather [hbm4b:s3+s7], $0x80, v8, vm0, $0xb8;
	[tilespmem:$0x1D080] =	vst v63  }
0x225: {  	v8 =	vld [tilespmem:s20+$0xFFFFFFC0];
	_ =	sdelay $0x4  }
0x226: {  	v36 =	vshll.u32 v8, $0x1  }
0x227: {  	v8 =	vand.u32 $0x7, v8;
	v9 =	vand.u32 $0xFFFFFFF0, v36  }
0x228: {  	v8 =	vor.u32 v8, v9  }
0x229: {  	v9 =	vperm.xlane v8, v5;
	_ =	sdelay $0x1  }
0x22a: {  	v8 =	vperm.xlane v8, v7;
	v9 =	vadd.s32 v6, v9;
	_ =	sdelay $0x1  }
0x22b: {  	v8 =	vadd.s32 v6, v8;
	_ =	sdelay $0x1  }
0x22c: {  	s18 =	simm.s32 $0x11080  }
0x22d: {  	[tilespmem:s18], [sflag:$0x1] =	stream.indirect_vreg.gather [hbm4b:s3+s7], $0x80, v9, vm0, $0xb8;
	[tilespmem:$0x1D080] =	vst v63  }
0x22e: {  	s9 =	simm.s32 $0x11880  }
0x22f: {  	[tilespmem:s9], [sflag:$0x1] =	stream.indirect_vreg.gather [hbm4b:s3+s7], $0x80, v8, vm0, $0xb8;
	[tilespmem:$0x1D080] =	vst v63  }
0x230: {  	v8 =	vld [tilespmem:s20+$0xFFFFFFD0];
	_ =	sdelay $0x4  }
0x231: {  	v37 =	vshll.u32 v8, $0x1  }
0x232: {  	v8 =	vand.u32 $0x7, v8;
	v9 =	vand.u32 $0xFFFFFFF0, v37  }
0x233: {  	v8 =	vor.u32 v8, v9  }
0x234: {  	v9 =	vperm.xlane v8, v5;
	_ =	sdelay $0x1  }
0x235: {  	v8 =	vperm.xlane v8, v7;
	v9 =	vadd.s32 v6, v9;
	_ =	sdelay $0x1  }
0x236: {  	v8 =	vadd.s32 v6, v8;
	_ =	sdelay $0x1  }
0x237: {  	s21 =	simm.s32 $0x12080  }
0x238: {  	[tilespmem:s21], [sflag:$0x1] =	stream.indirect_vreg.gather [hbm4b:s3+s7], $0x80, v9, vm0, $0xb8;
	[tilespmem:$0x1D080] =	vst v63  }
0x239: {  	s31 =	simm.s32 $0x12880  }
0x23a: {  	[tilespmem:s31], [sflag:$0x1] =	stream.indirect_vreg.gather [hbm4b:s3+s7], $0x80, v8, vm0, $0xb8;
	[tilespmem:$0x1D080] =	vst v63  }
0x23b: {  	v8 =	vld [tilespmem:s20+$0xFFFFFFE0];
	_ =	sdelay $0x4  }
0x23c: {  	v38 =	vshll.u32 v8, $0x1  }
0x23d: {  	v8 =	vand.u32 $0x7, v8;
	v9 =	vand.u32 $0xFFFFFFF0, v38  }
0x23e: {  	v8 =	vor.u32 v8, v9  }
0x23f: {  	v9 =	vperm.xlane v8, v5;
	_ =	sdelay $0x1  }
0x240: {  	v8 =	vperm.xlane v8, v7;
	v9 =	vadd.s32 v6, v9;
	_ =	sdelay $0x1  }
0x241: {  	v8 =	vadd.s32 v6, v8;
	_ =	sdelay $0x1  }
0x242: {  	s23 =	simm.s32 $0x13080  }
0x243: {  	[tilespmem:s23], [sflag:$0x1] =	stream.indirect_vreg.gather [hbm4b:s3+s7], $0x80, v9, vm0, $0xb8;
	[tilespmem:$0x1D080] =	vst v63  }
0x244: {  	s30 =	simm.s32 $0x13880  }
0x245: {  	[tilespmem:s30], [sflag:$0x1] =	stream.indirect_vreg.gather [hbm4b:s3+s7], $0x80, v8, vm0, $0xb8;
	[tilespmem:$0x1D080] =	vst v63  }
0x246: {  	v8 =	vld [tilespmem:s20+$0xFFFFFFF0];
	_ =	sdelay $0x4  }
0x247: {  	v39 =	vshll.u32 v8, $0x1  }
0x248: {  	v8 =	vand.u32 $0x7, v8;
	v9 =	vand.u32 $0xFFFFFFF0, v39  }
0x249: {  	v8 =	vor.u32 v8, v9  }
0x24a: {  	v9 =	vperm.xlane v8, v5;
	_ =	sdelay $0x1  }
0x24b: {  	v8 =	vperm.xlane v8, v7;
	v9 =	vadd.s32 v6, v9;
	_ =	sdelay $0x1  }
0x24c: {  	v8 =	vadd.s32 v6, v8;
	_ =	sdelay $0x1  }
0x24d: {  	s24 =	simm.s32 $0x14080  }
0x24e: {  	[tilespmem:s24], [sflag:$0x1] =	stream.indirect_vreg.gather [hbm4b:s3+s7], $0x80, v9, vm0, $0xb8;
	[tilespmem:$0x1D080] =	vst v63  }
0x24f: {  	s25 =	simm.s32 $0x14880;
	s0 =	simm.s32 @!p0 $0x4  }
0x250: {  	[tilespmem:s25], [sflag:$0x1] =	stream.indirect_vreg.gather [hbm4b:s3+s7], $0x80, v8, vm0, $0xb8;
	[tilespmem:$0x1D080] =	vst v63  }
0x251: {  	_ =	swait.ge @!p0 [sflag:s0], $0x8000  }
0x252: {  	[sflag:s0] =	ssyncset.done @!p0 $0x0  }
0x253: {  	[sflag:s0] =	ssyncadd.s32 @!p0 $0xFFFF8000  }
0x254: {  	v8 =	vld [tilespmem:s20+$0x0];
	_ =	sdelay $0x4  }
0x255: {  	v40 =	vshll.u32 v8, $0x1  }
0x256: {  	v8 =	vand.u32 $0x7, v8;
	v9 =	vand.u32 $0xFFFFFFF0, v40  }
0x257: {  	v8 =	vor.u32 v8, v9  }
0x258: {  	v9 =	vperm.xlane v8, v5;
	_ =	sdelay $0x1  }
0x259: {  	v8 =	vperm.xlane v8, v7;
	v9 =	vadd.s32 v6, v9;
	_ =	sdelay $0x1  }
0x25a: {  	v8 =	vadd.s32 v6, v8;
	_ =	sdelay $0x1  }
0x25b: {  	s8 =	simm.s32 $0x15080  }
0x25c: {  	[tilespmem:s8], [sflag:$0x2] =	stream.indirect_vreg.gather [hbm4b:s3+s7], $0x80, v9, vm0, $0xb8;
	[tilespmem:$0x1D080] =	vst v63  }
0x25d: {  	s10 =	simm.s32 $0x15880  }
0x25e: {  	[tilespmem:s10], [sflag:$0x2] =	stream.indirect_vreg.gather [hbm4b:s3+s7], $0x80, v8, vm0, $0xb8;
	[tilespmem:$0x1D080] =	vst v63  }
0x25f: {  	v8 =	vld [tilespmem:s20+$0x10];
	_ =	sdelay $0x4  }
0x260: {  	v41 =	vshll.u32 v8, $0x1  }
0x261: {  	v8 =	vand.u32 $0x7, v8;
	v9 =	vand.u32 $0xFFFFFFF0, v41  }
0x262: {  	v8 =	vor.u32 v8, v9  }
0x263: {  	v9 =	vperm.xlane v8, v5;
	_ =	sdelay $0x1  }
0x264: {  	v8 =	vperm.xlane v8, v7;
	v9 =	vadd.s32 v6, v9;
	_ =	sdelay $0x1  }
0x265: {  	v8 =	vadd.s32 v6, v8;
	_ =	sdelay $0x1  }
0x266: {  	s25 =	simm.s32 $0x16080  }
0x267: {  	[tilespmem:s25], [sflag:$0x2] =	stream.indirect_vreg.gather [hbm4b:s3+s7], $0x80, v9, vm0, $0xb8;
	[tilespmem:$0x1D080] =	vst v63  }
0x268: {  	s14 =	simm.s32 $0x16880  }
0x269: {  	[tilespmem:s14], [sflag:$0x2] =	stream.indirect_vreg.gather [hbm4b:s3+s7], $0x80, v8, vm0, $0xb8;
	[tilespmem:$0x1D080] =	vst v63  }
0x26a: {  	v8 =	vld [tilespmem:s20+$0x20];
	_ =	sdelay $0x4  }
0x26b: {  	v42 =	vshll.u32 v8, $0x1  }
0x26c: {  	v8 =	vand.u32 $0x7, v8;
	v9 =	vand.u32 $0xFFFFFFF0, v42  }
0x26d: {  	v8 =	vor.u32 v8, v9  }
0x26e: {  	v9 =	vperm.xlane v8, v5;
	_ =	sdelay $0x1  }
0x26f: {  	v8 =	vperm.xlane v8, v7;
	v9 =	vadd.s32 v6, v9;
	_ =	sdelay $0x1  }
0x270: {  	v8 =	vadd.s32 v6, v8;
	_ =	sdelay $0x1  }
0x271: {  	s8 =	simm.s32 $0x17080  }
0x272: {  	[tilespmem:s8], [sflag:$0x2] =	stream.indirect_vreg.gather [hbm4b:s3+s7], $0x80, v9, vm0, $0xb8;
	[tilespmem:$0x1D080] =	vst v63  }
0x273: {  	s15 =	simm.s32 $0x17880  }
0x274: {  	[tilespmem:s15], [sflag:$0x2] =	stream.indirect_vreg.gather [hbm4b:s3+s7], $0x80, v8, vm0, $0xb8;
	[tilespmem:$0x1D080] =	vst v63  }
0x275: {  	v8 =	vld [tilespmem:s20+$0x30];
	_ =	sdelay $0x4  }
0x276: {  	v43 =	vshll.u32 v8, $0x1  }
0x277: {  	v8 =	vand.u32 $0x7, v8;
	v9 =	vand.u32 $0xFFFFFFF0, v43  }
0x278: {  	v8 =	vor.u32 v8, v9  }
0x279: {  	v9 =	vperm.xlane v8, v5;
	_ =	sdelay $0x1  }
0x27a: {  	v8 =	vperm.xlane v8, v7;
	v9 =	vadd.s32 v6, v9;
	_ =	sdelay $0x1  }
0x27b: {  	v8 =	vadd.s32 v6, v8;
	_ =	sdelay $0x1  }
0x27c: {  	s2 =	simm.s32 $0x18080  }
0x27d: {  	[tilespmem:s2], [sflag:$0x2] =	stream.indirect_vreg.gather [hbm4b:s3+s7], $0x80, v9, vm0, $0xb8;
	[tilespmem:$0x1D080] =	vst v63  }
0x27e: {  	s16 =	simm.s32 $0x18880  }
0x27f: {  	[tilespmem:s16], [sflag:$0x2] =	stream.indirect_vreg.gather [hbm4b:s3+s7], $0x80, v8, vm0, $0xb8;
	[tilespmem:$0x1D080] =	vst v63  }
0x280: {  	v8 =	vld [tilespmem:s20+$0x40];
	_ =	sdelay $0x4  }
0x281: {  	v44 =	vshll.u32 v8, $0x1  }
0x282: {  	v8 =	vand.u32 $0x7, v8;
	v9 =	vand.u32 $0xFFFFFFF0, v44  }
0x283: {  	v8 =	vor.u32 v8, v9  }
0x284: {  	v9 =	vperm.xlane v8, v5;
	_ =	sdelay $0x1  }
0x285: {  	v8 =	vperm.xlane v8, v7;
	v9 =	vadd.s32 v6, v9;
	_ =	sdelay $0x1  }
0x286: {  	v8 =	vadd.s32 v6, v8;
	_ =	sdelay $0x1  }
0x287: {  	s29 =	simm.s32 $0x19080  }
0x288: {  	[tilespmem:s29], [sflag:$0x2] =	stream.indirect_vreg.gather [hbm4b:s3+s7], $0x80, v9, vm0, $0xb8;
	[tilespmem:$0x1D080] =	vst v63  }
0x289: {  	s18 =	simm.s32 $0x19880  }
0x28a: {  	[tilespmem:s18], [sflag:$0x2] =	stream.indirect_vreg.gather [hbm4b:s3+s7], $0x80, v8, vm0, $0xb8;
	[tilespmem:$0x1D080] =	vst v63  }
0x28b: {  	v8 =	vld [tilespmem:s20+$0x50];
	_ =	sdelay $0x4  }
0x28c: {  	v45 =	vshll.u32 v8, $0x1  }
0x28d: {  	v8 =	vand.u32 $0x7, v8;
	v9 =	vand.u32 $0xFFFFFFF0, v45  }
0x28e: {  	v8 =	vor.u32 v8, v9  }
0x28f: {  	v9 =	vperm.xlane v8, v5;
	_ =	sdelay $0x1  }
0x290: {  	v8 =	vperm.xlane v8, v7;
	v9 =	vadd.s32 v6, v9;
	_ =	sdelay $0x1  }
0x291: {  	v8 =	vadd.s32 v6, v8;
	_ =	sdelay $0x1  }
0x292: {  	s5 =	simm.s32 $0x1A080  }
0x293: {  	[tilespmem:s5], [sflag:$0x2] =	stream.indirect_vreg.gather [hbm4b:s3+s7], $0x80, v9, vm0, $0xb8;
	[tilespmem:$0x1D080] =	vst v63  }
0x294: {  	s21 =	simm.s32 $0x1A880  }
0x295: {  	[tilespmem:s21], [sflag:$0x2] =	stream.indirect_vreg.gather [hbm4b:s3+s7], $0x80, v8, vm0, $0xb8;
	[tilespmem:$0x1D080] =	vst v63  }
0x296: {  	v8 =	vld [tilespmem:s20+$0x60];
	_ =	sdelay $0x4  }
0x297: {  	v46 =	vshll.u32 v8, $0x1  }
0x298: {  	v8 =	vand.u32 $0x7, v8;
	v9 =	vand.u32 $0xFFFFFFF0, v46  }
0x299: {  	v8 =	vor.u32 v8, v9  }
0x29a: {  	v9 =	vperm.xlane v8, v5;
	_ =	sdelay $0x1  }
0x29b: {  	v8 =	vperm.xlane v8, v7;
	v9 =	vadd.s32 v6, v9;
	_ =	sdelay $0x1  }
0x29c: {  	v8 =	vadd.s32 v6, v8;
	_ =	sdelay $0x1  }
0x29d: {  	s11 =	simm.s32 $0x1B080  }
0x29e: {  	[tilespmem:s11], [sflag:$0x2] =	stream.indirect_vreg.gather [hbm4b:s3+s7], $0x80, v9, vm0, $0xb8;
	[tilespmem:$0x1D080] =	vst v63  }
0x29f: {  	s23 =	simm.s32 $0x1B880  }
0x2a0: {  	[tilespmem:s23], [sflag:$0x2] =	stream.indirect_vreg.gather [hbm4b:s3+s7], $0x80, v8, vm0, $0xb8;
	[tilespmem:$0x1D080] =	vst v63  }
0x2a1: {  	v8 =	vld [tilespmem:s20+$0x70];
	_ =	sdelay $0x4  }
0x2a2: {  	v47 =	vshll.u32 v8, $0x1  }
0x2a3: {  	v8 =	vand.u32 $0x7, v8;
	v9 =	vand.u32 $0xFFFFFFF0, v47  }
0x2a4: {  	v8 =	vor.u32 v8, v9  }
0x2a5: {  	v9 =	vperm.xlane v8, v5;
	_ =	sdelay $0x1  }
0x2a6: {  	v8 =	vperm.xlane v8, v7;
	v9 =	vadd.s32 v6, v9;
	_ =	sdelay $0x1  }
0x2a7: {  	v8 =	vadd.s32 v6, v8;
	_ =	sdelay $0x1  }
0x2a8: {  	s24 =	simm.s32 $0x1C080  }
0x2a9: {  	[tilespmem:s24], [sflag:$0x2] =	stream.indirect_vreg.gather [hbm4b:s3+s7], $0x80, v9, vm0, $0xb8;
	[tilespmem:$0x1D080] =	vst v63  }
0x2aa: {  	s0 =	simm.s32 $0x1C880  }
0x2ab: {  	[tilespmem:s0], [sflag:$0x2] =	stream.indirect_vreg.gather [hbm4b:s3+s7], $0x80, v8, vm0, $0xb8;
	[tilespmem:$0x1D080] =	vst v63  }
0x2ac: {  	s0 =	simm.s32 $0x1  }
0x2ad: {  	_ =	swait.ge [sflag:s0], $0x8000  }
0x2ae: {  	[sflag:s0] =	ssyncset.done $0x0  }
0x2af: {  	[sflag:s0] =	ssyncadd.s32 $0xFFFF8000  }
0x2b0: {  	v8 =	vld [tilespmem:s19+$0xFFFFFF80];
	_ =	sdelay $0x4  }
0x2b1: {  	v48 =	vshll.u32 v8, $0x1  }
0x2b2: {  	v8 =	vand.u32 $0x7, v8;
	v9 =	vand.u32 $0xFFFFFFF0, v48  }
0x2b3: {  	v8 =	vor.u32 v8, v9  }
0x2b4: {  	v9 =	vperm.xlane v8, v5;
	_ =	sdelay $0x1  }
0x2b5: {  	v8 =	vperm.xlane v8, v7;
	v9 =	vadd.s32 v6, v9;
	_ =	sdelay $0x1  }
0x2b6: {  	v8 =	vadd.s32 v6, v8;
	_ =	sdelay $0x1  }
0x2b7: {  	s1 =	simm.s32 $0xD080  }
0x2b8: {  	[hbm4b:s6+s7] =	stream.indirect_vreg.scatter [tilespmem:s1], [sflag:$0x3], $0x80, v9, vm0, $0xb8;
	[tilespmem:$0x1D080] =	vst v63  }
0x2b9: {  	s0 =	simm.s32 $0xD880  }
0x2ba: {  	[hbm4b:s6+s7] =	stream.indirect_vreg.scatter [tilespmem:s0], [sflag:$0x3], $0x80, v8, vm0, $0xb8;
	[tilespmem:$0x1D080] =	vst v63  }
0x2bb: {  	v8 =	vld [tilespmem:s19+$0xFFFFFF90];
	_ =	sdelay $0x4  }
0x2bc: {  	v49 =	vshll.u32 v8, $0x1  }
0x2bd: {  	v8 =	vand.u32 $0x7, v8;
	v9 =	vand.u32 $0xFFFFFFF0, v49  }
0x2be: {  	v8 =	vor.u32 v8, v9  }
0x2bf: {  	v9 =	vperm.xlane v8, v5;
	_ =	sdelay $0x1  }
0x2c0: {  	v8 =	vperm.xlane v8, v7;
	v9 =	vadd.s32 v6, v9;
	_ =	sdelay $0x1  }
0x2c1: {  	v8 =	vadd.s32 v6, v8;
	_ =	sdelay $0x1  }
0x2c2: {  	s0 =	simm.s32 $0xE080  }
0x2c3: {  	[hbm4b:s6+s7] =	stream.indirect_vreg.scatter [tilespmem:s0], [sflag:$0x3], $0x80, v9, vm0, $0xb8;
	[tilespmem:$0x1D080] =	vst v63  }
0x2c4: {  	s0 =	simm.s32 $0xE880  }
0x2c5: {  	[hbm4b:s6+s7] =	stream.indirect_vreg.scatter [tilespmem:s0], [sflag:$0x3], $0x80, v8, vm0, $0xb8;
	[tilespmem:$0x1D080] =	vst v63  }
0x2c6: {  	v8 =	vld [tilespmem:s19+$0xFFFFFFA0];
	_ =	sdelay $0x4  }
0x2c7: {  	v50 =	vshll.u32 v8, $0x1  }
0x2c8: {  	v8 =	vand.u32 $0x7, v8;
	v9 =	vand.u32 $0xFFFFFFF0, v50  }
0x2c9: {  	v8 =	vor.u32 v8, v9  }
0x2ca: {  	v9 =	vperm.xlane v8, v5;
	_ =	sdelay $0x1  }
0x2cb: {  	v8 =	vperm.xlane v8, v7;
	v9 =	vadd.s32 v6, v9;
	_ =	sdelay $0x1  }
0x2cc: {  	v8 =	vadd.s32 v6, v8;
	_ =	sdelay $0x1  }
0x2cd: {  	s0 =	simm.s32 $0xF080  }
0x2ce: {  	[hbm4b:s6+s7] =	stream.indirect_vreg.scatter [tilespmem:s0], [sflag:$0x3], $0x80, v9, vm0, $0xb8;
	[tilespmem:$0x1D080] =	vst v63  }
0x2cf: {  	s0 =	simm.s32 $0xF880  }
0x2d0: {  	[hbm4b:s6+s7] =	stream.indirect_vreg.scatter [tilespmem:s0], [sflag:$0x3], $0x80, v8, vm0, $0xb8;
	[tilespmem:$0x1D080] =	vst v63  }
0x2d1: {  	v8 =	vld [tilespmem:s19+$0xFFFFFFB0];
	_ =	sdelay $0x4  }
0x2d2: {  	v51 =	vshll.u32 v8, $0x1  }
0x2d3: {  	v8 =	vand.u32 $0x7, v8;
	v9 =	vand.u32 $0xFFFFFFF0, v51  }
0x2d4: {  	v8 =	vor.u32 v8, v9  }
0x2d5: {  	v9 =	vperm.xlane v8, v5;
	_ =	sdelay $0x1  }
0x2d6: {  	v8 =	vperm.xlane v8, v7;
	v9 =	vadd.s32 v6, v9;
	_ =	sdelay $0x1  }
0x2d7: {  	v8 =	vadd.s32 v6, v8;
	_ =	sdelay $0x2  }
0x2d8: {  	[hbm4b:s6+s7] =	stream.indirect_vreg.scatter [tilespmem:s28], [sflag:$0x3], $0x80, v9, vm0, $0xb8;
	[tilespmem:$0x1D080] =	vst v63  }
0x2d9: {  	s28 =	simm.s32 $0x10880  }
0x2da: {  	[hbm4b:s6+s7] =	stream.indirect_vreg.scatter [tilespmem:s28], [sflag:$0x3], $0x80, v8, vm0, $0xb8;
	[tilespmem:$0x1D080] =	vst v63  }
0x2db: {  	v8 =	vld [tilespmem:s19+$0xFFFFFFC0];
	_ =	sdelay $0x4  }
0x2dc: {  	v52 =	vshll.u32 v8, $0x1  }
0x2dd: {  	v8 =	vand.u32 $0x7, v8;
	v9 =	vand.u32 $0xFFFFFFF0, v52  }
0x2de: {  	v8 =	vor.u32 v8, v9  }
0x2df: {  	v9 =	vperm.xlane v8, v5;
	_ =	sdelay $0x1  }
0x2e0: {  	v8 =	vperm.xlane v8, v7;
	v9 =	vadd.s32 v6, v9;
	_ =	sdelay $0x1  }
0x2e1: {  	v8 =	vadd.s32 v6, v8;
	_ =	sdelay $0x1  }
0x2e2: {  	s28 =	simm.s32 $0x11080  }
0x2e3: {  	[hbm4b:s6+s7] =	stream.indirect_vreg.scatter [tilespmem:s28], [sflag:$0x3], $0x80, v9, vm0, $0xb8;
	[tilespmem:$0x1D080] =	vst v63  }
0x2e4: {  	_ = 	snop  }
0x2e5: {  	[hbm4b:s6+s7] =	stream.indirect_vreg.scatter [tilespmem:s9], [sflag:$0x3], $0x80, v8, vm0, $0xb8;
	[tilespmem:$0x1D080] =	vst v63  }
0x2e6: {  	v8 =	vld [tilespmem:s19+$0xFFFFFFD0];
	_ =	sdelay $0x4  }
0x2e7: {  	v53 =	vshll.u32 v8, $0x1  }
0x2e8: {  	v8 =	vand.u32 $0x7, v8;
	v9 =	vand.u32 $0xFFFFFFF0, v53  }
0x2e9: {  	v8 =	vor.u32 v8, v9  }
0x2ea: {  	v9 =	vperm.xlane v8, v5;
	_ =	sdelay $0x1  }
0x2eb: {  	v8 =	vperm.xlane v8, v7;
	v9 =	vadd.s32 v6, v9;
	_ =	sdelay $0x1  }
0x2ec: {  	v8 =	vadd.s32 v6, v8;
	_ =	sdelay $0x1  }
0x2ed: {  	s28 =	simm.s32 $0x12080  }
0x2ee: {  	[hbm4b:s6+s7] =	stream.indirect_vreg.scatter [tilespmem:s28], [sflag:$0x3], $0x80, v9, vm0, $0xb8;
	[tilespmem:$0x1D080] =	vst v63  }
0x2ef: {  	_ = 	snop  }
0x2f0: {  	[hbm4b:s6+s7] =	stream.indirect_vreg.scatter [tilespmem:s31], [sflag:$0x3], $0x80, v8, vm0, $0xb8;
	[tilespmem:$0x1D080] =	vst v63  }
0x2f1: {  	v8 =	vld [tilespmem:s19+$0xFFFFFFE0];
	_ =	sdelay $0x4  }
0x2f2: {  	v54 =	vshll.u32 v8, $0x1  }
0x2f3: {  	v8 =	vand.u32 $0x7, v8;
	v9 =	vand.u32 $0xFFFFFFF0, v54  }
0x2f4: {  	v8 =	vor.u32 v8, v9  }
0x2f5: {  	v9 =	vperm.xlane v8, v5;
	_ =	sdelay $0x1  }
0x2f6: {  	v8 =	vperm.xlane v8, v7;
	v9 =	vadd.s32 v6, v9;
	_ =	sdelay $0x1  }
0x2f7: {  	v8 =	vadd.s32 v6, v8;
	_ =	sdelay $0x1  }
0x2f8: {  	s28 =	simm.s32 $0x13080  }
0x2f9: {  	[hbm4b:s6+s7] =	stream.indirect_vreg.scatter [tilespmem:s28], [sflag:$0x3], $0x80, v9, vm0, $0xb8;
	[tilespmem:$0x1D080] =	vst v63  }
0x2fa: {  	_ = 	snop  }
0x2fb: {  	[hbm4b:s6+s7] =	stream.indirect_vreg.scatter [tilespmem:s30], [sflag:$0x3], $0x80, v8, vm0, $0xb8;
	[tilespmem:$0x1D080] =	vst v63  }
0x2fc: {  	v8 =	vld [tilespmem:s19+$0xFFFFFFF0];
	_ =	sdelay $0x4  }
0x2fd: {  	v55 =	vshll.u32 v8, $0x1  }
0x2fe: {  	v8 =	vand.u32 $0x7, v8;
	v9 =	vand.u32 $0xFFFFFFF0, v55  }
0x2ff: {  	v8 =	vor.u32 v8, v9  }
0x300: {  	v9 =	vperm.xlane v8, v5;
	_ =	sdelay $0x1  }
0x301: {  	v8 =	vperm.xlane v8, v7;
	v9 =	vadd.s32 v6, v9;
	_ =	sdelay $0x1  }
0x302: {  	v8 =	vadd.s32 v6, v8;
	_ =	sdelay $0x1  }
0x303: {  	s30 =	simm.s32 $0x14080  }
0x304: {  	[hbm4b:s6+s7] =	stream.indirect_vreg.scatter [tilespmem:s30], [sflag:$0x3], $0x80, v9, vm0, $0xb8;
	[tilespmem:$0x1D080] =	vst v63  }
0x305: {  	s9 =	simm.s32 $0x2;
	s28 =	simm.s32 $0x14880  }
0x306: {  	[hbm4b:s6+s7] =	stream.indirect_vreg.scatter [tilespmem:s28], [sflag:$0x3], $0x80, v8, vm0, $0xb8;
	[tilespmem:$0x1D080] =	vst v63  }
0x307: {  	_ =	swait.ge [sflag:s9], $0x8000  }
0x308: {  	[sflag:s9] =	ssyncset.done $0x0  }
0x309: {  	[sflag:s9] =	ssyncadd.s32 $0xFFFF8000  }
0x30a: {  	v8 =	vld [tilespmem:s19+$0x0];
	_ =	sdelay $0x4  }
0x30b: {  	v56 =	vshll.u32 v8, $0x1  }
0x30c: {  	v8 =	vand.u32 $0x7, v8;
	v9 =	vand.u32 $0xFFFFFFF0, v56  }
0x30d: {  	v8 =	vor.u32 v8, v9  }
0x30e: {  	v9 =	vperm.xlane v8, v5;
	_ =	sdelay $0x1  }
0x30f: {  	v8 =	vperm.xlane v8, v7;
	v9 =	vadd.s32 v6, v9;
	_ =	sdelay $0x1  }
0x310: {  	v8 =	vadd.s32 v6, v8;
	_ =	sdelay $0x1  }
0x311: {  	s1 =	simm.s32 $0x15080  }
0x312: {  	[hbm4b:s6+s7] =	stream.indirect_vreg.scatter [tilespmem:s1], [sflag:$0x4], $0x80, v9, vm0, $0xb8;
	[tilespmem:$0x1D080] =	vst v63  }
0x313: {  	_ = 	snop  }
0x314: {  	[hbm4b:s6+s7] =	stream.indirect_vreg.scatter [tilespmem:s10], [sflag:$0x4], $0x80, v8, vm0, $0xb8;
	[tilespmem:$0x1D080] =	vst v63  }
0x315: {  	v8 =	vld [tilespmem:s19+$0x10];
	_ =	sdelay $0x4  }
0x316: {  	v57 =	vshll.u32 v8, $0x1  }
0x317: {  	v8 =	vand.u32 $0x7, v8;
	v9 =	vand.u32 $0xFFFFFFF0, v57  }
0x318: {  	v8 =	vor.u32 v8, v9  }
0x319: {  	v9 =	vperm.xlane v8, v5;
	_ =	sdelay $0x1  }
0x31a: {  	v8 =	vperm.xlane v8, v7;
	v9 =	vadd.s32 v6, v9;
	_ =	sdelay $0x1  }
0x31b: {  	v8 =	vadd.s32 v6, v8;
	_ =	sdelay $0x2  }
0x31c: {  	[hbm4b:s6+s7] =	stream.indirect_vreg.scatter [tilespmem:s25], [sflag:$0x4], $0x80, v9, vm0, $0xb8;
	[tilespmem:$0x1D080] =	vst v63  }
0x31d: {  	_ = 	snop  }
0x31e: {  	[hbm4b:s6+s7] =	stream.indirect_vreg.scatter [tilespmem:s14], [sflag:$0x4], $0x80, v8, vm0, $0xb8;
	[tilespmem:$0x1D080] =	vst v63  }
0x31f: {  	v8 =	vld [tilespmem:s19+$0x20];
	_ =	sdelay $0x4  }
0x320: {  	v58 =	vshll.u32 v8, $0x1  }
0x321: {  	v8 =	vand.u32 $0x7, v8;
	v9 =	vand.u32 $0xFFFFFFF0, v58  }
0x322: {  	v8 =	vor.u32 v8, v9  }
0x323: {  	v9 =	vperm.xlane v8, v5;
	_ =	sdelay $0x1  }
0x324: {  	v8 =	vperm.xlane v8, v7;
	v9 =	vadd.s32 v6, v9;
	_ =	sdelay $0x1  }
0x325: {  	v8 =	vadd.s32 v6, v8;
	_ =	sdelay $0x2  }
0x326: {  	[hbm4b:s6+s7] =	stream.indirect_vreg.scatter [tilespmem:s8], [sflag:$0x4], $0x80, v9, vm0, $0xb8;
	[tilespmem:$0x1D080] =	vst v63  }
0x327: {  	_ = 	snop  }
0x328: {  	[hbm4b:s6+s7] =	stream.indirect_vreg.scatter [tilespmem:s15], [sflag:$0x4], $0x80, v8, vm0, $0xb8;
	[tilespmem:$0x1D080] =	vst v63  }
0x329: {  	v8 =	vld [tilespmem:s19+$0x30];
	_ =	sdelay $0x4  }
0x32a: {  	v59 =	vshll.u32 v8, $0x1  }
0x32b: {  	v8 =	vand.u32 $0x7, v8;
	v9 =	vand.u32 $0xFFFFFFF0, v59  }
0x32c: {  	v8 =	vor.u32 v8, v9  }
0x32d: {  	v9 =	vperm.xlane v8, v5;
	_ =	sdelay $0x1  }
0x32e: {  	v8 =	vperm.xlane v8, v7;
	v9 =	vadd.s32 v6, v9;
	_ =	sdelay $0x1  }
0x32f: {  	v8 =	vadd.s32 v6, v8;
	_ =	sdelay $0x2  }
0x330: {  	[hbm4b:s6+s7] =	stream.indirect_vreg.scatter [tilespmem:s2], [sflag:$0x4], $0x80, v9, vm0, $0xb8;
	[tilespmem:$0x1D080] =	vst v63  }
0x331: {  	_ = 	snop  }
0x332: {  	[hbm4b:s6+s7] =	stream.indirect_vreg.scatter [tilespmem:s16], [sflag:$0x4], $0x80, v8, vm0, $0xb8;
	[tilespmem:$0x1D080] =	vst v63  }
0x333: {  	v8 =	vld [tilespmem:s19+$0x40];
	_ =	sdelay $0x4  }
0x334: {  	v60 =	vshll.u32 v8, $0x1  }
0x335: {  	v8 =	vand.u32 $0x7, v8;
	v9 =	vand.u32 $0xFFFFFFF0, v60  }
0x336: {  	v8 =	vor.u32 v8, v9  }
0x337: {  	v9 =	vperm.xlane v8, v5;
	_ =	sdelay $0x1  }
0x338: {  	v8 =	vperm.xlane v8, v7;
	v9 =	vadd.s32 v6, v9;
	_ =	sdelay $0x1  }
0x339: {  	v8 =	vadd.s32 v6, v8;
	_ =	sdelay $0x2  }
0x33a: {  	[hbm4b:s6+s7] =	stream.indirect_vreg.scatter [tilespmem:s29], [sflag:$0x4], $0x80, v9, vm0, $0xb8;
	[tilespmem:$0x1D080] =	vst v63  }
0x33b: {  	_ = 	snop  }
0x33c: {  	[hbm4b:s6+s7] =	stream.indirect_vreg.scatter [tilespmem:s18], [sflag:$0x4], $0x80, v8, vm0, $0xb8;
	[tilespmem:$0x1D080] =	vst v63  }
0x33d: {  	v8 =	vld [tilespmem:s19+$0x50];
	_ =	sdelay $0x4  }
0x33e: {  	v61 =	vshll.u32 v8, $0x1  }
0x33f: {  	v8 =	vand.u32 $0x7, v8;
	v9 =	vand.u32 $0xFFFFFFF0, v61  }
0x340: {  	v8 =	vor.u32 v8, v9  }
0x341: {  	v9 =	vperm.xlane v8, v5;
	_ =	sdelay $0x1  }
0x342: {  	v8 =	vperm.xlane v8, v7;
	v9 =	vadd.s32 v6, v9;
	_ =	sdelay $0x1  }
0x343: {  	v8 =	vadd.s32 v6, v8;
	_ =	sdelay $0x2  }
0x344: {  	[hbm4b:s6+s7] =	stream.indirect_vreg.scatter [tilespmem:s5], [sflag:$0x4], $0x80, v9, vm0, $0xb8;
	[tilespmem:$0x1D080] =	vst v63  }
0x345: {  	_ = 	snop  }
0x346: {  	[hbm4b:s6+s7] =	stream.indirect_vreg.scatter [tilespmem:s21], [sflag:$0x4], $0x80, v8, vm0, $0xb8;
	[tilespmem:$0x1D080] =	vst v63  }
0x347: {  	v8 =	vld [tilespmem:s19+$0x60];
	_ =	sdelay $0x4  }
0x348: {  	v62 =	vshll.u32 v8, $0x1  }
0x349: {  	v8 =	vand.u32 $0x7, v8;
	v9 =	vand.u32 $0xFFFFFFF0, v62  }
0x34a: {  	v8 =	vor.u32 v8, v9  }
0x34b: {  	v9 =	vperm.xlane v8, v5;
	_ =	sdelay $0x1  }
0x34c: {  	v8 =	vperm.xlane v8, v7;
	v9 =	vadd.s32 v6, v9;
	_ =	sdelay $0x1  }
0x34d: {  	v8 =	vadd.s32 v6, v8;
	_ =	sdelay $0x2  }
0x34e: {  	[hbm4b:s6+s7] =	stream.indirect_vreg.scatter [tilespmem:s11], [sflag:$0x4], $0x80, v9, vm0, $0xb8;
	[tilespmem:$0x1D080] =	vst v63  }
0x34f: {  	_ = 	snop  }
0x350: {  	[hbm4b:s6+s7] =	stream.indirect_vreg.scatter [tilespmem:s23], [sflag:$0x4], $0x80, v8, vm0, $0xb8;
	[tilespmem:$0x1D080] =	vst v63  }
0x351: {  	v8 =	vld [tilespmem:s19+$0x70];
	_ =	sdelay $0x4  }
0x352: {  	v63 =	vshll.u32 v8, $0x1  }
0x353: {  	v8 =	vand.u32 $0x7, v8;
	v9 =	vand.u32 $0xFFFFFFF0, v63  }
0x354: {  	v8 =	vor.u32 v8, v9  }
0x355: {  	v9 =	vperm.xlane v8, v5;
	_ =	sdelay $0x1  }
0x356: {  	v8 =	vperm.xlane v8, v7;
	v9 =	vadd.s32 v6, v9  }
0x357: {  	s17 =	sadd.s32 $0xFFFFFFFF, s17;
	s29 =	rddreg [dreg:$0x7]  }
0x358: {  	p0 =	sne.s32 s29, s17;
	v8 =	vadd.s32 v6, v8  }
.Ltmp17:
0x359: {  	_ = 	snop;
	(pc) =	sbr.rel @p0 .LBB2_29-.Ltmp17, $4  }
0x35a: {  	s20 =	sadd.s32 $0x100, s20  }
0x35b: {  	[hbm4b:s6+s7] =	stream.indirect_vreg.scatter [tilespmem:s24], [sflag:$0x4], $0x80, v9, vm0, $0xb8;
	[tilespmem:$0x1D080] =	vst v63  }
0x35c: {  	s31 =	simm.s32 $0xD080;
	s30 =	simm.s32 $0x1C880;
	s19 =	sadd.s32 $0x100, s19  }
0x35d: {  	[hbm4b:s6+s7] =	stream.indirect_vreg.scatter [tilespmem:s30], [sflag:$0x4], $0x80, v8, vm0, $0xb8;
	[tilespmem:$0x1D080] =	vst v63  }
0x35e: {  	s10 =	simm.s32 $0x3  }
0x35f: {  	_ =	swait.ge [sflag:s10], $0x8000  }
0x360: {  	[sflag:s10] =	ssyncset.done $0x0  }
0x361: {  	s11 =	simm.s32 $0x4;
	[sflag:s10] =	ssyncadd.s32 $0xFFFF8000  }
0x362: {  	_ =	swait.ge [sflag:s11], $0x8000  }
0x363: {  	s14 =	rddreg [dreg:$0x19]  }
.Ltmp18:
0x364: {  	s16 =	rddreg [dreg:$0x1a];
	(pc) =	sbr.rel .LBB2_31-.Ltmp18, $4  }
0x365: {  	[sflag:s11] =	ssyncset.done $0x0;
	s15 =	rddreg [dreg:$0x1b]  }
0x366: {  	s8 =	rddreg [dreg:$0x8];
	[sflag:s11] =	ssyncadd.s32 $0xFFFF8000  }
0x367: {  	s2 =	rddreg [dreg:$0x0]  }
0x368: {  	s5 =	simm.s32 $0x1;
	s29 =	rddreg [dreg:$0x1]  }
.LBB2_32:
0x369: {  	_ =	sfence.sel $0x180000  }
0x36a: {  	[bflag:$0x0] =	sbarrier.arrive $0xFFFF  }
0x36b: {  	_ =	strace $0x90000047  }
0x36c: {  	s0 =	stileid.u32;
	[bflag:$0x2] =	sbarrier.arrive $0xFFFF  }
0x36d: {  	p0 =	sne.s32 s0, $0x0;
	s0 =	rddreg [dreg:$0x6]  }
0x36e: {  	s0 =	sadd.s32 @!p0 $0x100000, s0  }
0x36f: {  	[sflag:s0] =	ssyncadd.tile.s32 @!p0 $0x1;
	_ =	shalt  }
.Lfunc_end2:
_tile_overlayer_lowered:
.L_overlay_start_2:
0x370: {  	(tag) =	ssettag $0x2  }
0x371: {  	s0 =	rddreg [dreg:$0x0];
	s2 =	stileid.u32  }
0x372: {  	s1 =	rddreg [dreg:$0x1];
	p0 =	sne.s32 s2, $0x0  }
0x373: {  	s3 =	rddreg [dreg:$0x2];
	[bflag:$0x3] =	sbarrier.arrive $0xFFFF;
	s2 =	simm.s32 @!p0 $0x1C06  }
0x374: {  	[timem:s3], [sflag:s2] =	dma.local @!p0 [hbm:s0], s1  }
0x375: {  	s0 =	simm.s32 @!p0 $0x6  }
0x376: {  	_ =	swait.ge @!p0 [sflag:s0], s1  }
0x377: {  	s1 =	ssub.s32 @!p0 $0x0, s1;
	[sflag:s0] =	ssyncset.done @!p0 $0x0  }
0x378: {  	[sflag:s0] =	ssyncadd.s32 @!p0 s1  }
0x379: {  	[bflag:$0x3] =	sbarrier.arrive $0xFFFF  }
0x37a: {  	_ =	shalt  }

</sc_bundles>
